<compile_context>
chip_gen: v7x
topology: tpu7x:2x2x1
jax: 0.10.2.dev20260603
libtpu: 0.0.44.dev20260713+nightly
codegen_flags: <defaults>
</compile_context>

<pallas_src>
import functools

import jax
import jax.numpy as jnp
from jax import lax
from jax.experimental import pallas as pl
from jax.experimental.pallas import tpu as pltpu
from jax.experimental.pallas import tpu_sc as plsc

B, BAG, D = 16384, 50, 64
VOCAB = 1000000
HID, NCLS = 512, 100
NCLS_PAD = 128

NC, NS = 2, 16
NW = NC * NS
BPW = B // NW
BAGS_PER_CHUNK = 2
CHUNK_I = BAGS_PER_CHUNK * BAG + 4
NCHUNK = BPW // BAGS_PER_CHUNK
NBUF = 4
NGROUP = NCHUNK // NBUF
ROWS_PER_GROUP = NBUF * BAGS_PER_CHUNK
LANES = 16
DREG = D // LANES


def _bag_kernel(idx_hbm, table_hbm, out_hbm, idx_v, gbuf_v, stage_v, sems,
                osems):
    wid = lax.axis_index("s") * NC + lax.axis_index("c")
    pltpu.sync_copy(idx_hbm.at[wid], idx_v)

    def gather_desc(b, j):
        return pltpu.make_async_copy(
            table_hbm.at[idx_v.at[j]], gbuf_v.at[b], sems.at[b])

    def out_desc(sb, g):
        return pltpu.make_async_copy(
            stage_v.at[sb],
            out_hbm.at[pl.ds(wid * BPW + g * ROWS_PER_GROUP, ROWS_PER_GROUP)],
            osems.at[sb])

    for b in range(NBUF):
        gather_desc(b, b).start()

    def group_body(g0, carry):
        g = g0 * NBUF
        sb = lax.rem(g0, 2)

        @pl.when(g0 >= 2)
        def _():
            out_desc(sb, g0 - 2).wait()

        for b in range(NBUF):
            j = g + b
            gather_desc(b, j).wait()
            for bag in range(BAGS_PER_CHUNK):
                base = bag * BAG

                def row_body(r, acc, _b=b, _base=base):
                    return tuple(
                        acc[d] + gbuf_v[_b, _base + r, pl.ds(d * LANES, LANES)]
                        for d in range(DREG)
                    )

                acc = lax.fori_loop(
                    0, BAG, row_body,
                    tuple(jnp.zeros((LANES,), jnp.float32)
                          for _ in range(DREG)),
                )
                srow = b * BAGS_PER_CHUNK + bag
                for d in range(DREG):
                    stage_v[sb, srow, pl.ds(d * LANES, LANES)] = (
                        acc[d] * (1.0 / BAG))

            @pl.when(j + NBUF < NCHUNK)
            def _(b=b, j=j):
                gather_desc(b, j + NBUF).start()

        out_desc(sb, g0).start()
        return carry

    lax.fori_loop(0, NGROUP, group_body, 0)
    for k in range(2):
        out_desc(k, 0).wait()


_sc_bag = pl.kernel(
    _bag_kernel,
    out_type=jax.ShapeDtypeStruct((B, D), jnp.float32),
    mesh=plsc.VectorSubcoreMesh(
        core_axis_name="c", subcore_axis_name="s",
        num_cores=NC, num_subcores=NS,
    ),
    scratch_types=[
        pltpu.VMEM((NCHUNK, CHUNK_I), jnp.int32),
        pltpu.VMEM((NBUF, CHUNK_I, 2 * D), jnp.float32),
        pltpu.VMEM((2, ROWS_PER_GROUP, D), jnp.float32),
        pltpu.SemaphoreType.DMA((NBUF,)),
        pltpu.SemaphoreType.DMA((2,)),
    ],
    compiler_params=pltpu.CompilerParams(use_tc_tiling_on_sc=True),
)


BT = 4096
VPAD = 245 * BT


def _tpad_kernel(t_ref, o_ref):
    xt = t_ref[...].T
    o_ref[...] = jnp.concatenate(
        [xt, jnp.zeros((BT, D), jnp.float32)], axis=1)


_tpad_table = pl.pallas_call(
    _tpad_kernel,
    grid=(VPAD // BT,),
    in_specs=[pl.BlockSpec((D, BT), lambda i: (0, i))],
    out_specs=pl.BlockSpec((BT, 2 * D), lambda i: (i, 0)),
    out_shape=jax.ShapeDtypeStruct((VPAD, 2 * D), jnp.float32),
)


BM = 1024


def _mlp_kernel(x_ref, w1_ref, b1_ref, wf0_ref, bf0_ref, wf1_ref, bf1_ref,
                w2_ref, b2_ref, o_ref):
    f32 = jnp.float32
    x = x_ref[...]
    h = jnp.maximum(jnp.dot(x, w1_ref[...], preferred_element_type=f32)
                    + b1_ref[...], 0.0)
    h = jnp.maximum(jnp.dot(h, wf0_ref[...], preferred_element_type=f32)
                    + bf0_ref[...], 0.0)
    h = jnp.maximum(jnp.dot(h, wf1_ref[...], preferred_element_type=f32)
                    + bf1_ref[...], 0.0)
    logits = jnp.dot(h, w2_ref[...], preferred_element_type=f32) + b2_ref[...]
    m = jnp.max(logits, axis=1, keepdims=True)
    lse = jnp.log(jnp.sum(jnp.exp(logits - m), axis=1, keepdims=True)) + m
    o_ref[...] = logits - lse


_mlp = pl.pallas_call(
    _mlp_kernel,
    grid=(B // BM,),
    in_specs=[
        pl.BlockSpec((BM, D), lambda i: (i, 0)),
        pl.BlockSpec((D, HID), lambda i: (0, 0)),
        pl.BlockSpec((1, HID), lambda i: (0, 0)),
        pl.BlockSpec((HID, HID), lambda i: (0, 0)),
        pl.BlockSpec((1, HID), lambda i: (0, 0)),
        pl.BlockSpec((HID, HID), lambda i: (0, 0)),
        pl.BlockSpec((1, HID), lambda i: (0, 0)),
        pl.BlockSpec((HID, NCLS_PAD), lambda i: (0, 0)),
        pl.BlockSpec((1, NCLS_PAD), lambda i: (0, 0)),
    ],
    out_specs=pl.BlockSpec((BM, NCLS_PAD), lambda i: (i, 0)),
    out_shape=jax.ShapeDtypeStruct((B, NCLS_PAD), jnp.float32),
)


def kernel(data_input, table, W1, b1, Wf0, bf0, Wf1, bf1, W2, b2):
    idx = data_input.astype(jnp.int32).reshape(NW, NCHUNK, BAGS_PER_CHUNK * BAG)
    npad = CHUNK_I - BAGS_PER_CHUNK * BAG
    pad = (jnp.arange(NW * NCHUNK * npad, dtype=jnp.int32)
           .reshape(NW, NCHUNK, npad)) % VOCAB
    idx = jnp.concatenate([idx, pad], axis=-1)
    emb = _sc_bag(idx, _tpad_table(jnp.swapaxes(table, 0, 1)))

    w2p = jnp.concatenate(
        [W2, jnp.zeros((HID, NCLS_PAD - NCLS), jnp.float32)], axis=-1)
    b2p = jnp.concatenate(
        [b2, jnp.full((NCLS_PAD - NCLS,), -1e30, jnp.float32)])
    out = _mlp(emb, W1, b1.reshape(1, HID), Wf0, bf0.reshape(1, HID),
               Wf1, bf1.reshape(1, HID), w2p, b2p.reshape(1, NCLS_PAD))
    return out[:, :NCLS]

# --- scband reference (transcript-rebuilt; emitter-appended) ---
"""Pipeline reference for scband-word2vec-neural-network-46248207843838 (READ-ONLY COPY).

The authoritative reference and input builder live on the scoring server;
editing this copy changes nothing except your own understanding.
"""

import jax, jax.numpy as jnp
import numpy as np

VOCAB = 1000000
EMBED_DIM = 64
BATCH = 16384
BAG = 50
HIDDEN = 512
NUM_HIDDEN_LAYERS = 2
NUM_CLASSES = 100


def setup_inputs(seed: int = 0) -> dict:
    key = jax.random.key(seed)
    ks = jax.random.split(key, 10)
    data_input = jax.random.randint(ks[0], (BATCH, BAG), 0, VOCAB, dtype=jnp.int64 if jax.config.jax_enable_x64 else jnp.int32)
    table = jax.random.normal(ks[1], (VOCAB, EMBED_DIM), dtype=jnp.float32)
    W1 = jax.random.normal(ks[2], (EMBED_DIM, HIDDEN), dtype=jnp.float32) * 0.02
    b1 = jnp.zeros((HIDDEN,), dtype=jnp.float32)
    Wf0 = jax.random.normal(ks[3], (HIDDEN, HIDDEN), dtype=jnp.float32) * 0.02
    bf0 = jnp.zeros((HIDDEN,), dtype=jnp.float32)
    Wf1 = jax.random.normal(ks[4], (HIDDEN, HIDDEN), dtype=jnp.float32) * 0.02
    bf1 = jnp.zeros((HIDDEN,), dtype=jnp.float32)
    W2 = jax.random.normal(ks[5], (HIDDEN, NUM_CLASSES), dtype=jnp.float32) * 0.02
    b2 = jnp.zeros((NUM_CLASSES,), dtype=jnp.float32)
    return {"data_input": data_input, "table": table, "W1": W1, "b1": b1,
            "Wf0": Wf0, "bf0": bf0, "Wf1": Wf1, "bf1": bf1, "W2": W2, "b2": b2}


def reference(data_input, table, W1, b1, Wf0, bf0, Wf1, bf1, W2, b2):
    # nn.EmbeddingBag(mode='mean'): gather rows then mean over the bag dimension
    emb = jnp.take(table, data_input, axis=0)          # [B, L, D]
    emb = jnp.mean(emb, axis=1)                        # [B, D]
    x = jax.nn.relu(emb @ W1 + b1)                     # layer1 + relu
    x = jax.nn.relu(x @ Wf0 + bf0)                     # hidden fc 0
    x = jax.nn.relu(x @ Wf1 + bf1)                     # hidden fc 1
    out = x @ W2 + b2                                  # layer2
    log_ps = jax.nn.log_softmax(out, axis=1)
    return log_ps

if __name__ == "__main__":
    import jax
    _d = setup_inputs()
    print(jax.jit(kernel)(*tuple(_d.values())))

</pallas_src>

<mosaic_0001>
#map = affine_map<(d0, d1) -> (0, 0, 0)>
#map1 = affine_map<(d0, d1) -> (0, 0)>
module attributes {stable_mosaic.version = 14 : i64} {
  func.func @_bag_kernel(%arg0: i32, %arg1: i32, %arg2: memref<32x256x104xi32, #tpu.memory_space<hbm>>, %arg3: memref<1003520x128xf32, #tpu.memory_space<hbm>>, %arg4: memref<16384x64xf32, #tpu.memory_space<hbm>>, %arg5: memref<256x104xi32, #tpu.memory_space<vmem>>, %arg6: memref<4x104x128xf32, #tpu.memory_space<vmem>>, %arg7: memref<2x8x64xf32, #tpu.memory_space<vmem>>, %arg8: memref<4x!tpu.dma_semaphore, #tpu.memory_space<semaphore_mem>>, %arg9: memref<2x!tpu.dma_semaphore, #tpu.memory_space<semaphore_mem>>) attributes {dimension_semantics = [#tpu.dimension_semantics<core_parallel>, #tpu.dimension_semantics<subcore_parallel>], iteration_bounds = array<i64: 2, 16>, scalar_prefetch = 0 : i64, scratch_operands = 5 : i64, tpu.core_type = #tpu.core_type<sc_vector_subcore>, window_params = [{transform_indices = #map}, {transform_indices = #map1}, {transform_indices = #map1}]} {
    %mul3A = arith.constant 2 : i32
    %mul3A_0 = arith.muli %arg1, %mul3A : i32
    %add3A = arith.addi %mul3A_0, %arg0 : i32
    "tpu.region"() ({
      %run_scoped3A = tpu.sem_alloc : memref<!tpu.dma_semaphore, #tpu.memory_space<semaphore_mem>>
      %dma_start3A_104 = arith.constant 0 : i32
      %dma_start3A_105 = arith.constant 0 : i32
      %dma_start3A_106 = tpu.memref_slice %arg2[%add3A, %dma_start3A_104, %dma_start3A_105] : memref<32x256x104xi32, #tpu.memory_space<hbm>> -> memref<1x256x104xi32, #tpu.memory_space<hbm>>
      %dma_start3A_107 = tpu.memref_squeeze %dma_start3A_106 : memref<1x256x104xi32, #tpu.memory_space<hbm>> -> memref<256x104xi32, #tpu.memory_space<hbm>>
      %dma_start3A_108 = arith.constant 0 : i32
      %dma_start3A_109 = arith.constant 0 : i32
      %dma_start3A_110 = tpu.memref_slice %arg2[%add3A, %dma_start3A_108, %dma_start3A_109] : memref<32x256x104xi32, #tpu.memory_space<hbm>> -> memref<1x256x104xi32, #tpu.memory_space<hbm>>
      %dma_start3A_111 = tpu.memref_squeeze %dma_start3A_110 : memref<1x256x104xi32, #tpu.memory_space<hbm>> -> memref<256x104xi32, #tpu.memory_space<hbm>>
      tpu.enqueue_dma source(%dma_start3A_111 : memref<256x104xi32, #tpu.memory_space<hbm>>) target(%arg5 : memref<256x104xi32, #tpu.memory_space<vmem>>) target_semaphore(%run_scoped3A : memref<!tpu.dma_semaphore, #tpu.memory_space<semaphore_mem>>)
      %dma_wait3A_112 = arith.constant 0 : i32
      %dma_wait3A_113 = arith.constant 0 : i32
      %dma_wait3A_114 = tpu.memref_slice %arg2[%add3A, %dma_wait3A_112, %dma_wait3A_113] : memref<32x256x104xi32, #tpu.memory_space<hbm>> -> memref<1x256x104xi32, #tpu.memory_space<hbm>>
      %dma_wait3A_115 = tpu.memref_squeeze %dma_wait3A_114 : memref<1x256x104xi32, #tpu.memory_space<hbm>> -> memref<256x104xi32, #tpu.memory_space<hbm>>
      %dma_wait3A_116 = arith.constant 0 : i32
      %dma_wait3A_117 = arith.constant 0 : i32
      %dma_wait3A_118 = tpu.memref_slice %arg2[%add3A, %dma_wait3A_116, %dma_wait3A_117] : memref<32x256x104xi32, #tpu.memory_space<hbm>> -> memref<1x256x104xi32, #tpu.memory_space<hbm>>
      %dma_wait3A_119 = tpu.memref_squeeze %dma_wait3A_118 : memref<1x256x104xi32, #tpu.memory_space<hbm>> -> memref<256x104xi32, #tpu.memory_space<hbm>>
      tpu.wait_dma2 semaphore(%run_scoped3A : memref<!tpu.dma_semaphore, #tpu.memory_space<semaphore_mem>>) src(%dma_wait3A_119 : memref<256x104xi32, #tpu.memory_space<hbm>>) dst(%arg5 : memref<256x104xi32, #tpu.memory_space<vmem>>)
      tpu.yield
    }) : () -> ()
    %dma_start3A = arith.constant 0 : i32
    %dma_start3A_1 = arith.constant 0 : i32
    %dma_start3A_2 = arith.constant 0 : i32
    %dma_start3A_3 = arith.constant 0 : i32
    %dma_start3A_4 = arith.constant 0 : i32
    %dma_start3A_5 = tpu.memref_slice %arg6[%dma_start3A_1, %dma_start3A_3, %dma_start3A_4] : memref<4x104x128xf32, #tpu.memory_space<vmem>> -> memref<1x104x128xf32, #tpu.memory_space<vmem>>
    %dma_start3A_6 = tpu.memref_squeeze %dma_start3A_5 : memref<1x104x128xf32, #tpu.memory_space<vmem>> -> memref<104x128xf32, #tpu.memory_space<vmem>>
    %dma_start3A_7 = arith.constant 0 : i32
    %dma_start3A_8 = tpu.memref_slice %arg5[%dma_start3A, %dma_start3A_7] : memref<256x104xi32, #tpu.memory_space<vmem>> -> memref<1x104xi32, #tpu.memory_space<vmem>>
    %dma_start3A_9 = tpu.memref_squeeze %dma_start3A_8 : memref<1x104xi32, #tpu.memory_space<vmem>> -> memref<104xi32, #tpu.memory_space<vmem>>
    %dma_start3A_10 = arith.constant 0 : i32
    %dma_start3A_11 = arith.constant 0 : i32
    %dma_start3A_12 = tpu.memref_slice %arg3[%dma_start3A_10, %dma_start3A_11] : memref<1003520x128xf32, #tpu.memory_space<hbm>> -> memref<1003520x128xf32, #tpu.memory_space<hbm>>
    %dma_start3A_13 = tpu.memref_slice %arg8[%dma_start3A_2] : memref<4x!tpu.dma_semaphore, #tpu.memory_space<semaphore_mem>> -> memref<1x!tpu.dma_semaphore, #tpu.memory_space<semaphore_mem>>
    %dma_start3A_14 = tpu.memref_squeeze %dma_start3A_13 : memref<1x!tpu.dma_semaphore, #tpu.memory_space<semaphore_mem>> -> memref<!tpu.dma_semaphore, #tpu.memory_space<semaphore_mem>>
    tpu.enqueue_indirect_dma source(%dma_start3A_12 : memref<1003520x128xf32, #tpu.memory_space<hbm>>) target(%dma_start3A_6 : memref<104x128xf32, #tpu.memory_space<vmem>>) offsets(%dma_start3A_9 : memref<104xi32, #tpu.memory_space<vmem>>) semaphore(%dma_start3A_14 : memref<!tpu.dma_semaphore, #tpu.memory_space<semaphore_mem>>)
    %dma_start3A_15 = arith.constant 1 : i32
    %dma_start3A_16 = arith.constant 1 : i32
    %dma_start3A_17 = arith.constant 1 : i32
    %dma_start3A_18 = arith.constant 0 : i32
    %dma_start3A_19 = arith.constant 0 : i32
    %dma_start3A_20 = tpu.memref_slice %arg6[%dma_start3A_16, %dma_start3A_18, %dma_start3A_19] : memref<4x104x128xf32, #tpu.memory_space<vmem>> -> memref<1x104x128xf32, #tpu.memory_space<vmem>>
    %dma_start3A_21 = tpu.memref_squeeze %dma_start3A_20 : memref<1x104x128xf32, #tpu.memory_space<vmem>> -> memref<104x128xf32, #tpu.memory_space<vmem>>
    %dma_start3A_22 = arith.constant 0 : i32
    %dma_start3A_23 = tpu.memref_slice %arg5[%dma_start3A_15, %dma_start3A_22] : memref<256x104xi32, #tpu.memory_space<vmem>> -> memref<1x104xi32, #tpu.memory_space<vmem>>
    %dma_start3A_24 = tpu.memref_squeeze %dma_start3A_23 : memref<1x104xi32, #tpu.memory_space<vmem>> -> memref<104xi32, #tpu.memory_space<vmem>>
    %dma_start3A_25 = arith.constant 0 : i32
    %dma_start3A_26 = arith.constant 0 : i32
    %dma_start3A_27 = tpu.memref_slice %arg3[%dma_start3A_25, %dma_start3A_26] : memref<1003520x128xf32, #tpu.memory_space<hbm>> -> memref<1003520x128xf32, #tpu.memory_space<hbm>>
    %dma_start3A_28 = tpu.memref_slice %arg8[%dma_start3A_17] : memref<4x!tpu.dma_semaphore, #tpu.memory_space<semaphore_mem>> -> memref<1x!tpu.dma_semaphore, #tpu.memory_space<semaphore_mem>>
    %dma_start3A_29 = tpu.memref_squeeze %dma_start3A_28 : memref<1x!tpu.dma_semaphore, #tpu.memory_space<semaphore_mem>> -> memref<!tpu.dma_semaphore, #tpu.memory_space<semaphore_mem>>
    tpu.enqueue_indirect_dma source(%dma_start3A_27 : memref<1003520x128xf32, #tpu.memory_space<hbm>>) target(%dma_start3A_21 : memref<104x128xf32, #tpu.memory_space<vmem>>) offsets(%dma_start3A_24 : memref<104xi32, #tpu.memory_space<vmem>>) semaphore(%dma_start3A_29 : memref<!tpu.dma_semaphore, #tpu.memory_space<semaphore_mem>>)
    %dma_start3A_30 = arith.constant 2 : i32
    %dma_start3A_31 = arith.constant 2 : i32
    %dma_start3A_32 = arith.constant 2 : i32
    %dma_start3A_33 = arith.constant 0 : i32
    %dma_start3A_34 = arith.constant 0 : i32
    %dma_start3A_35 = tpu.memref_slice %arg6[%dma_start3A_31, %dma_start3A_33, %dma_start3A_34] : memref<4x104x128xf32, #tpu.memory_space<vmem>> -> memref<1x104x128xf32, #tpu.memory_space<vmem>>
    %dma_start3A_36 = tpu.memref_squeeze %dma_start3A_35 : memref<1x104x128xf32, #tpu.memory_space<vmem>> -> memref<104x128xf32, #tpu.memory_space<vmem>>
    %dma_start3A_37 = arith.constant 0 : i32
    %dma_start3A_38 = tpu.memref_slice %arg5[%dma_start3A_30, %dma_start3A_37] : memref<256x104xi32, #tpu.memory_space<vmem>> -> memref<1x104xi32, #tpu.memory_space<vmem>>
    %dma_start3A_39 = tpu.memref_squeeze %dma_start3A_38 : memref<1x104xi32, #tpu.memory_space<vmem>> -> memref<104xi32, #tpu.memory_space<vmem>>
    %dma_start3A_40 = arith.constant 0 : i32
    %dma_start3A_41 = arith.constant 0 : i32
    %dma_start3A_42 = tpu.memref_slice %arg3[%dma_start3A_40, %dma_start3A_41] : memref<1003520x128xf32, #tpu.memory_space<hbm>> -> memref<1003520x128xf32, #tpu.memory_space<hbm>>
    %dma_start3A_43 = tpu.memref_slice %arg8[%dma_start3A_32] : memref<4x!tpu.dma_semaphore, #tpu.memory_space<semaphore_mem>> -> memref<1x!tpu.dma_semaphore, #tpu.memory_space<semaphore_mem>>
    %dma_start3A_44 = tpu.memref_squeeze %dma_start3A_43 : memref<1x!tpu.dma_semaphore, #tpu.memory_space<semaphore_mem>> -> memref<!tpu.dma_semaphore, #tpu.memory_space<semaphore_mem>>
    tpu.enqueue_indirect_dma source(%dma_start3A_42 : memref<1003520x128xf32, #tpu.memory_space<hbm>>) target(%dma_start3A_36 : memref<104x128xf32, #tpu.memory_space<vmem>>) offsets(%dma_start3A_39 : memref<104xi32, #tpu.memory_space<vmem>>) semaphore(%dma_start3A_44 : memref<!tpu.dma_semaphore, #tpu.memory_space<semaphore_mem>>)
    %dma_start3A_45 = arith.constant 3 : i32
    %dma_start3A_46 = arith.constant 3 : i32
    %dma_start3A_47 = arith.constant 3 : i32
    %dma_start3A_48 = arith.constant 0 : i32
    %dma_start3A_49 = arith.constant 0 : i32
    %dma_start3A_50 = tpu.memref_slice %arg6[%dma_start3A_46, %dma_start3A_48, %dma_start3A_49] : memref<4x104x128xf32, #tpu.memory_space<vmem>> -> memref<1x104x128xf32, #tpu.memory_space<vmem>>
    %dma_start3A_51 = tpu.memref_squeeze %dma_start3A_50 : memref<1x104x128xf32, #tpu.memory_space<vmem>> -> memref<104x128xf32, #tpu.memory_space<vmem>>
    %dma_start3A_52 = arith.constant 0 : i32
    %dma_start3A_53 = tpu.memref_slice %arg5[%dma_start3A_45, %dma_start3A_52] : memref<256x104xi32, #tpu.memory_space<vmem>> -> memref<1x104xi32, #tpu.memory_space<vmem>>
    %dma_start3A_54 = tpu.memref_squeeze %dma_start3A_53 : memref<1x104xi32, #tpu.memory_space<vmem>> -> memref<104xi32, #tpu.memory_space<vmem>>
    %dma_start3A_55 = arith.constant 0 : i32
    %dma_start3A_56 = arith.constant 0 : i32
    %dma_start3A_57 = tpu.memref_slice %arg3[%dma_start3A_55, %dma_start3A_56] : memref<1003520x128xf32, #tpu.memory_space<hbm>> -> memref<1003520x128xf32, #tpu.memory_space<hbm>>
    %dma_start3A_58 = tpu.memref_slice %arg8[%dma_start3A_47] : memref<4x!tpu.dma_semaphore, #tpu.memory_space<semaphore_mem>> -> memref<1x!tpu.dma_semaphore, #tpu.memory_space<semaphore_mem>>
    %dma_start3A_59 = tpu.memref_squeeze %dma_start3A_58 : memref<1x!tpu.dma_semaphore, #tpu.memory_space<semaphore_mem>> -> memref<!tpu.dma_semaphore, #tpu.memory_space<semaphore_mem>>
    tpu.enqueue_indirect_dma source(%dma_start3A_57 : memref<1003520x128xf32, #tpu.memory_space<hbm>>) target(%dma_start3A_51 : memref<104x128xf32, #tpu.memory_space<vmem>>) offsets(%dma_start3A_54 : memref<104xi32, #tpu.memory_space<vmem>>) semaphore(%dma_start3A_59 : memref<!tpu.dma_semaphore, #tpu.memory_space<semaphore_mem>>)
    %scan3A = arith.constant 0 : i32
    %scan3A_60 = arith.constant 0 : i32
    %scan3A_61 = arith.constant 64 : i32
    %scan3A_62 = arith.addi %scan3A_60, %scan3A_61 : i32
    %scan3A_63 = arith.constant 1 : i32
    scf.for %scan3A_104 = %scan3A_60 to %scan3A_62 step %scan3A_63  : i32 {
      %mul3A_105 = arith.constant 4 : i32
      %mul3A_106 = arith.muli %scan3A_104, %mul3A_105 : i32
      %rem3A = arith.constant 2 : i32
      %rem3A_107 = arith.remsi %scan3A_104, %rem3A : i32
      %ge3A = arith.constant 2 : i32
      %ge3A_108 = arith.cmpi sge, %scan3A_104, %ge3A : i32
      %convert_element_type3A = arith.extui %ge3A_108 : i1 to i32
      %cond3A = arith.constant 0 : i32
      %cond3A_109 = arith.cmpi ne, %convert_element_type3A, %cond3A : i32
      scf.if %cond3A_109 {
        %sub3A = arith.constant 2 : i32
        %sub3A_650 = arith.subi %scan3A_104, %sub3A : i32
        %mul3A_651 = arith.constant 512 : i32
        %mul3A_652 = arith.muli %add3A, %mul3A_651 : i32
        %mul3A_653 = arith.constant 8 : i32
        %mul3A_654 = arith.muli %sub3A_650, %mul3A_653 : i32
        %add3A_655 = arith.addi %mul3A_652, %mul3A_654 : i32
        %dma_wait3A_656 = arith.constant 0 : i32
        %dma_wait3A_657 = arith.constant 0 : i32
        %dma_wait3A_658 = tpu.memref_slice %arg7[%rem3A_107, %dma_wait3A_656, %dma_wait3A_657] : memref<2x8x64xf32, #tpu.memory_space<vmem>> -> memref<1x8x64xf32, #tpu.memory_space<vmem>>
        %dma_wait3A_659 = tpu.memref_squeeze %dma_wait3A_658 : memref<1x8x64xf32, #tpu.memory_space<vmem>> -> memref<8x64xf32, #tpu.memory_space<vmem>>
        %dma_wait3A_660 = arith.constant 0 : i32
        %dma_wait3A_661 = tpu.memref_slice %arg4[%add3A_655, %dma_wait3A_660] : memref<16384x64xf32, #tpu.memory_space<hbm>> -> memref<8x64xf32, #tpu.memory_space<hbm>>
        %dma_wait3A_662 = tpu.memref_slice %arg9[%rem3A_107] : memref<2x!tpu.dma_semaphore, #tpu.memory_space<semaphore_mem>> -> memref<1x!tpu.dma_semaphore, #tpu.memory_space<semaphore_mem>>
        %dma_wait3A_663 = tpu.memref_squeeze %dma_wait3A_662 : memref<1x!tpu.dma_semaphore, #tpu.memory_space<semaphore_mem>> -> memref<!tpu.dma_semaphore, #tpu.memory_space<semaphore_mem>>
        %dma_wait3A_664 = arith.constant 0 : i32
        %dma_wait3A_665 = tpu.memref_slice %arg4[%add3A_655, %dma_wait3A_664] : memref<16384x64xf32, #tpu.memory_space<hbm>> -> memref<8x64xf32, #tpu.memory_space<hbm>>
        %dma_wait3A_666 = arith.constant 0 : i32
        %dma_wait3A_667 = arith.constant 0 : i32
        %dma_wait3A_668 = tpu.memref_slice %arg7[%rem3A_107, %dma_wait3A_666, %dma_wait3A_667] : memref<2x8x64xf32, #tpu.memory_space<vmem>> -> memref<1x8x64xf32, #tpu.memory_space<vmem>>
        %dma_wait3A_669 = tpu.memref_squeeze %dma_wait3A_668 : memref<1x8x64xf32, #tpu.memory_space<vmem>> -> memref<8x64xf32, #tpu.memory_space<vmem>>
        tpu.wait_dma2 semaphore(%dma_wait3A_663 : memref<!tpu.dma_semaphore, #tpu.memory_space<semaphore_mem>>) src(%dma_wait3A_669 : memref<8x64xf32, #tpu.memory_space<vmem>>) dst(%dma_wait3A_665 : memref<8x64xf32, #tpu.memory_space<hbm>>)
      } else {
      }
      %add3A_110 = arith.constant 0 : i32
      %add3A_111 = arith.addi %mul3A_106, %add3A_110 : i32
      %dma_wait3A_112 = arith.constant 0 : i32
      %dma_wait3A_113 = arith.constant 0 : i32
      %dma_wait3A_114 = arith.constant 0 : i32
      %dma_wait3A_115 = arith.constant 0 : i32
      %dma_wait3A_116 = tpu.memref_slice %arg6[%dma_wait3A_112, %dma_wait3A_114, %dma_wait3A_115] : memref<4x104x128xf32, #tpu.memory_space<vmem>> -> memref<1x104x128xf32, #tpu.memory_space<vmem>>
      %dma_wait3A_117 = tpu.memref_squeeze %dma_wait3A_116 : memref<1x104x128xf32, #tpu.memory_space<vmem>> -> memref<104x128xf32, #tpu.memory_space<vmem>>
      %dma_wait3A_118 = arith.constant 0 : i32
      %dma_wait3A_119 = tpu.memref_slice %arg5[%add3A_111, %dma_wait3A_118] : memref<256x104xi32, #tpu.memory_space<vmem>> -> memref<1x104xi32, #tpu.memory_space<vmem>>
      %dma_wait3A_120 = tpu.memref_squeeze %dma_wait3A_119 : memref<1x104xi32, #tpu.memory_space<vmem>> -> memref<104xi32, #tpu.memory_space<vmem>>
      %dma_wait3A_121 = arith.constant 0 : i32
      %dma_wait3A_122 = arith.constant 0 : i32
      %dma_wait3A_123 = tpu.memref_slice %arg3[%dma_wait3A_121, %dma_wait3A_122] : memref<1003520x128xf32, #tpu.memory_space<hbm>> -> memref<1003520x128xf32, #tpu.memory_space<hbm>>
      %dma_wait3A_124 = tpu.memref_slice %arg8[%dma_wait3A_113] : memref<4x!tpu.dma_semaphore, #tpu.memory_space<semaphore_mem>> -> memref<1x!tpu.dma_semaphore, #tpu.memory_space<semaphore_mem>>
      %dma_wait3A_125 = tpu.memref_squeeze %dma_wait3A_124 : memref<1x!tpu.dma_semaphore, #tpu.memory_space<semaphore_mem>> -> memref<!tpu.dma_semaphore, #tpu.memory_space<semaphore_mem>>
      tpu.wait_indirect_dma semaphore(%dma_wait3A_125 : memref<!tpu.dma_semaphore, #tpu.memory_space<semaphore_mem>>) src(%dma_wait3A_123 : memref<1003520x128xf32, #tpu.memory_space<hbm>>) dst(%dma_wait3A_117 : memref<104x128xf32, #tpu.memory_space<vmem>>)
      %broadcast_in_dim3A = arith.constant 0.000000e+00 : f32
      %broadcast_in_dim3A_126 = vector.broadcast %broadcast_in_dim3A : f32 to vector<16xf32>
      %broadcast_in_dim3A_127 = arith.constant 0.000000e+00 : f32
      %broadcast_in_dim3A_128 = vector.broadcast %broadcast_in_dim3A_127 : f32 to vector<16xf32>
      %broadcast_in_dim3A_129 = arith.constant 0.000000e+00 : f32
      %broadcast_in_dim3A_130 = vector.broadcast %broadcast_in_dim3A_129 : f32 to vector<16xf32>
      %broadcast_in_dim3A_131 = arith.constant 0.000000e+00 : f32
      %broadcast_in_dim3A_132 = vector.broadcast %broadcast_in_dim3A_131 : f32 to vector<16xf32>
      %scan3A_133 = arith.constant 0 : i32
      %scan3A_134 = arith.constant 50 : i32
      %scan3A_135 = arith.addi %scan3A_133, %scan3A_134 : i32
      %scan3A_136 = arith.constant 1 : i32
      %scan3A_137:4 = scf.for %scan3A_650 = %scan3A_133 to %scan3A_135 step %scan3A_136 iter_args(%scan3A_651 = %broadcast_in_dim3A_126, %scan3A_652 = %broadcast_in_dim3A_128, %scan3A_653 = %broadcast_in_dim3A_130, %scan3A_654 = %broadcast_in_dim3A_132) -> (vector<16xf32>, vector<16xf32>, vector<16xf32>, vector<16xf32>)  : i32 {
        %add3A_655 = arith.constant 0 : i32
        %add3A_656 = arith.addi %add3A_655, %scan3A_650 : i32
        %get3A = arith.constant 0 : i32
        %get3A_657 = arith.index_cast %get3A : i32 to index
        %get3A_658 = arith.index_cast %add3A_656 : i32 to index
        %get3A_659 = arith.constant 0 : index
        %get3A_660 = tpu.vector_load %arg6[%get3A_657, %get3A_658, %get3A_659] {strides = array<i32>} : memref<4x104x128xf32, #tpu.memory_space<vmem>>, vector<1x1x16xf32>,
        %get3A_661 = vector.shape_cast %get3A_660 : vector<1x1x16xf32> to vector<16xf32>
        %add3A_662 = arith.addf %scan3A_651, %get3A_661 : vector<16xf32>
        %add3A_663 = arith.constant 0 : i32
        %add3A_664 = arith.addi %add3A_663, %scan3A_650 : i32
        %get3A_665 = arith.constant 0 : i32
        %get3A_666 = arith.index_cast %get3A_665 : i32 to index
        %get3A_667 = arith.index_cast %add3A_664 : i32 to index
        %get3A_668 = arith.constant 16 : index
        %get3A_669 = tpu.vector_load %arg6[%get3A_666, %get3A_667, %get3A_668] {strides = array<i32>} : memref<4x104x128xf32, #tpu.memory_space<vmem>>, vector<1x1x16xf32>,
        %get3A_670 = vector.shape_cast %get3A_669 : vector<1x1x16xf32> to vector<16xf32>
        %add3A_671 = arith.addf %scan3A_652, %get3A_670 : vector<16xf32>
        %add3A_672 = arith.constant 0 : i32
        %add3A_673 = arith.addi %add3A_672, %scan3A_650 : i32
        %get3A_674 = arith.constant 0 : i32
        %get3A_675 = arith.index_cast %get3A_674 : i32 to index
        %get3A_676 = arith.index_cast %add3A_673 : i32 to index
        %get3A_677 = arith.constant 32 : index
        %get3A_678 = tpu.vector_load %arg6[%get3A_675, %get3A_676, %get3A_677] {strides = array<i32>} : memref<4x104x128xf32, #tpu.memory_space<vmem>>, vector<1x1x16xf32>,
        %get3A_679 = vector.shape_cast %get3A_678 : vector<1x1x16xf32> to vector<16xf32>
        %add3A_680 = arith.addf %scan3A_653, %get3A_679 : vector<16xf32>
        %add3A_681 = arith.constant 0 : i32
        %add3A_682 = arith.addi %add3A_681, %scan3A_650 : i32
        %get3A_683 = arith.constant 0 : i32
        %get3A_684 = arith.index_cast %get3A_683 : i32 to index
        %get3A_685 = arith.index_cast %add3A_682 : i32 to index
        %get3A_686 = arith.constant 48 : index
        %get3A_687 = tpu.vector_load %arg6[%get3A_684, %get3A_685, %get3A_686] {strides = array<i32>} : memref<4x104x128xf32, #tpu.memory_space<vmem>>, vector<1x1x16xf32>,
        %get3A_688 = vector.shape_cast %get3A_687 : vector<1x1x16xf32> to vector<16xf32>
        %add3A_689 = arith.addf %scan3A_654, %get3A_688 : vector<16xf32>
        scf.yield %add3A_662, %add3A_671, %add3A_680, %add3A_689 : vector<16xf32>, vector<16xf32>, vector<16xf32>, vector<16xf32>
      }
      %scan3A_138 = arith.constant 50 : i32
      %mul3A_139 = arith.constant 2.000000e-02 : f32
      %mul3A_140 = vector.broadcast %mul3A_139 : f32 to vector<16xf32>
      %mul3A_141 = arith.mulf %scan3A_137#0, %mul3A_140 : vector<16xf32>
      %swap3A = arith.constant 0 : i32
      %swap3A_142 = arith.index_cast %rem3A_107 : i32 to index
      %swap3A_143 = arith.index_cast %swap3A : i32 to index
      %swap3A_144 = arith.constant 0 : index
      %swap3A_145 = tpu.vector_load %arg7[%swap3A_142, %swap3A_143, %swap3A_144] {strides = array<i32>} : memref<2x8x64xf32, #tpu.memory_space<vmem>>, vector<1x1x16xf32>,
      %swap3A_146 = vector.shape_cast %swap3A_145 : vector<1x1x16xf32> to vector<16xf32>
      %swap3A_147 = vector.shape_cast %mul3A_141 : vector<16xf32> to vector<1x1x16xf32>
      tpu.vector_store %arg7[%swap3A_142, %swap3A_143, %swap3A_144], %swap3A_147 {strides = array<i32>} : memref<2x8x64xf32, #tpu.memory_space<vmem>>, vector<1x1x16xf32>,
      %mul3A_148 = arith.constant 2.000000e-02 : f32
      %mul3A_149 = vector.broadcast %mul3A_148 : f32 to vector<16xf32>
      %mul3A_150 = arith.mulf %scan3A_137#1, %mul3A_149 : vector<16xf32>
      %swap3A_151 = arith.constant 0 : i32
      %swap3A_152 = arith.index_cast %rem3A_107 : i32 to index
      %swap3A_153 = arith.index_cast %swap3A_151 : i32 to index
      %swap3A_154 = arith.constant 16 : index
      %swap3A_155 = tpu.vector_load %arg7[%swap3A_152, %swap3A_153, %swap3A_154] {strides = array<i32>} : memref<2x8x64xf32, #tpu.memory_space<vmem>>, vector<1x1x16xf32>,
      %swap3A_156 = vector.shape_cast %swap3A_155 : vector<1x1x16xf32> to vector<16xf32>
      %swap3A_157 = vector.shape_cast %mul3A_150 : vector<16xf32> to vector<1x1x16xf32>
      tpu.vector_store %arg7[%swap3A_152, %swap3A_153, %swap3A_154], %swap3A_157 {strides = array<i32>} : memref<2x8x64xf32, #tpu.memory_space<vmem>>, vector<1x1x16xf32>,
      %mul3A_158 = arith.constant 2.000000e-02 : f32
      %mul3A_159 = vector.broadcast %mul3A_158 : f32 to vector<16xf32>
      %mul3A_160 = arith.mulf %scan3A_137#2, %mul3A_159 : vector<16xf32>
      %swap3A_161 = arith.constant 0 : i32
      %swap3A_162 = arith.index_cast %rem3A_107 : i32 to index
      %swap3A_163 = arith.index_cast %swap3A_161 : i32 to index
      %swap3A_164 = arith.constant 32 : index
      %swap3A_165 = tpu.vector_load %arg7[%swap3A_162, %swap3A_163, %swap3A_164] {strides = array<i32>} : memref<2x8x64xf32, #tpu.memory_space<vmem>>, vector<1x1x16xf32>,
      %swap3A_166 = vector.shape_cast %swap3A_165 : vector<1x1x16xf32> to vector<16xf32>
      %swap3A_167 = vector.shape_cast %mul3A_160 : vector<16xf32> to vector<1x1x16xf32>
      tpu.vector_store %arg7[%swap3A_162, %swap3A_163, %swap3A_164], %swap3A_167 {strides = array<i32>} : memref<2x8x64xf32, #tpu.memory_space<vmem>>, vector<1x1x16xf32>,
      %mul3A_168 = arith.constant 2.000000e-02 : f32
      %mul3A_169 = vector.broadcast %mul3A_168 : f32 to vector<16xf32>
      %mul3A_170 = arith.mulf %scan3A_137#3, %mul3A_169 : vector<16xf32>
      %swap3A_171 = arith.constant 0 : i32
      %swap3A_172 = arith.index_cast %rem3A_107 : i32 to index
      %swap3A_173 = arith.index_cast %swap3A_171 : i32 to index
      %swap3A_174 = arith.constant 48 : index
      %swap3A_175 = tpu.vector_load %arg7[%swap3A_172, %swap3A_173, %swap3A_174] {strides = array<i32>} : memref<2x8x64xf32, #tpu.memory_space<vmem>>, vector<1x1x16xf32>,
      %swap3A_176 = vector.shape_cast %swap3A_175 : vector<1x1x16xf32> to vector<16xf32>
      %swap3A_177 = vector.shape_cast %mul3A_170 : vector<16xf32> to vector<1x1x16xf32>
      tpu.vector_store %arg7[%swap3A_172, %swap3A_173, %swap3A_174], %swap3A_177 {strides = array<i32>} : memref<2x8x64xf32, #tpu.memory_space<vmem>>, vector<1x1x16xf32>,
      %broadcast_in_dim3A_178 = arith.constant 0.000000e+00 : f32
      %broadcast_in_dim3A_179 = vector.broadcast %broadcast_in_dim3A_178 : f32 to vector<16xf32>
      %broadcast_in_dim3A_180 = arith.constant 0.000000e+00 : f32
      %broadcast_in_dim3A_181 = vector.broadcast %broadcast_in_dim3A_180 : f32 to vector<16xf32>
      %broadcast_in_dim3A_182 = arith.constant 0.000000e+00 : f32
      %broadcast_in_dim3A_183 = vector.broadcast %broadcast_in_dim3A_182 : f32 to vector<16xf32>
      %broadcast_in_dim3A_184 = arith.constant 0.000000e+00 : f32
      %broadcast_in_dim3A_185 = vector.broadcast %broadcast_in_dim3A_184 : f32 to vector<16xf32>
      %scan3A_186 = arith.constant 0 : i32
      %scan3A_187 = arith.constant 50 : i32
      %scan3A_188 = arith.addi %scan3A_186, %scan3A_187 : i32
      %scan3A_189 = arith.constant 1 : i32
      %scan3A_190:4 = scf.for %scan3A_650 = %scan3A_186 to %scan3A_188 step %scan3A_189 iter_args(%scan3A_651 = %broadcast_in_dim3A_179, %scan3A_652 = %broadcast_in_dim3A_181, %scan3A_653 = %broadcast_in_dim3A_183, %scan3A_654 = %broadcast_in_dim3A_185) -> (vector<16xf32>, vector<16xf32>, vector<16xf32>, vector<16xf32>)  : i32 {
        %add3A_655 = arith.constant 50 : i32
        %add3A_656 = arith.addi %add3A_655, %scan3A_650 : i32
        %get3A = arith.constant 0 : i32
        %get3A_657 = arith.index_cast %get3A : i32 to index
        %get3A_658 = arith.index_cast %add3A_656 : i32 to index
        %get3A_659 = arith.constant 0 : index
        %get3A_660 = tpu.vector_load %arg6[%get3A_657, %get3A_658, %get3A_659] {strides = array<i32>} : memref<4x104x128xf32, #tpu.memory_space<vmem>>, vector<1x1x16xf32>,
        %get3A_661 = vector.shape_cast %get3A_660 : vector<1x1x16xf32> to vector<16xf32>
        %add3A_662 = arith.addf %scan3A_651, %get3A_661 : vector<16xf32>
        %add3A_663 = arith.constant 50 : i32
        %add3A_664 = arith.addi %add3A_663, %scan3A_650 : i32
        %get3A_665 = arith.constant 0 : i32
        %get3A_666 = arith.index_cast %get3A_665 : i32 to index
        %get3A_667 = arith.index_cast %add3A_664 : i32 to index
        %get3A_668 = arith.constant 16 : index
        %get3A_669 = tpu.vector_load %arg6[%get3A_666, %get3A_667, %get3A_668] {strides = array<i32>} : memref<4x104x128xf32, #tpu.memory_space<vmem>>, vector<1x1x16xf32>,
        %get3A_670 = vector.shape_cast %get3A_669 : vector<1x1x16xf32> to vector<16xf32>
        %add3A_671 = arith.addf %scan3A_652, %get3A_670 : vector<16xf32>
        %add3A_672 = arith.constant 50 : i32
        %add3A_673 = arith.addi %add3A_672, %scan3A_650 : i32
        %get3A_674 = arith.constant 0 : i32
        %get3A_675 = arith.index_cast %get3A_674 : i32 to index
        %get3A_676 = arith.index_cast %add3A_673 : i32 to index
        %get3A_677 = arith.constant 32 : index
        %get3A_678 = tpu.vector_load %arg6[%get3A_675, %get3A_676, %get3A_677] {strides = array<i32>} : memref<4x104x128xf32, #tpu.memory_space<vmem>>, vector<1x1x16xf32>,
        %get3A_679 = vector.shape_cast %get3A_678 : vector<1x1x16xf32> to vector<16xf32>
        %add3A_680 = arith.addf %scan3A_653, %get3A_679 : vector<16xf32>
        %add3A_681 = arith.constant 50 : i32
        %add3A_682 = arith.addi %add3A_681, %scan3A_650 : i32
        %get3A_683 = arith.constant 0 : i32
        %get3A_684 = arith.index_cast %get3A_683 : i32 to index
        %get3A_685 = arith.index_cast %add3A_682 : i32 to index
        %get3A_686 = arith.constant 48 : index
        %get3A_687 = tpu.vector_load %arg6[%get3A_684, %get3A_685, %get3A_686] {strides = array<i32>} : memref<4x104x128xf32, #tpu.memory_space<vmem>>, vector<1x1x16xf32>,
        %get3A_688 = vector.shape_cast %get3A_687 : vector<1x1x16xf32> to vector<16xf32>
        %add3A_689 = arith.addf %scan3A_654, %get3A_688 : vector<16xf32>
        scf.yield %add3A_662, %add3A_671, %add3A_680, %add3A_689 : vector<16xf32>, vector<16xf32>, vector<16xf32>, vector<16xf32>
      }
      %scan3A_191 = arith.constant 50 : i32
      %mul3A_192 = arith.constant 2.000000e-02 : f32
      %mul3A_193 = vector.broadcast %mul3A_192 : f32 to vector<16xf32>
      %mul3A_194 = arith.mulf %scan3A_190#0, %mul3A_193 : vector<16xf32>
      %swap3A_195 = arith.constant 1 : i32
      %swap3A_196 = arith.index_cast %rem3A_107 : i32 to index
      %swap3A_197 = arith.index_cast %swap3A_195 : i32 to index
      %swap3A_198 = arith.constant 0 : index
      %swap3A_199 = tpu.vector_load %arg7[%swap3A_196, %swap3A_197, %swap3A_198] {strides = array<i32>} : memref<2x8x64xf32, #tpu.memory_space<vmem>>, vector<1x1x16xf32>,
      %swap3A_200 = vector.shape_cast %swap3A_199 : vector<1x1x16xf32> to vector<16xf32>
      %swap3A_201 = vector.shape_cast %mul3A_194 : vector<16xf32> to vector<1x1x16xf32>
      tpu.vector_store %arg7[%swap3A_196, %swap3A_197, %swap3A_198], %swap3A_201 {strides = array<i32>} : memref<2x8x64xf32, #tpu.memory_space<vmem>>, vector<1x1x16xf32>,
      %mul3A_202 = arith.constant 2.000000e-02 : f32
      %mul3A_203 = vector.broadcast %mul3A_202 : f32 to vector<16xf32>
      %mul3A_204 = arith.mulf %scan3A_190#1, %mul3A_203 : vector<16xf32>
      %swap3A_205 = arith.constant 1 : i32
      %swap3A_206 = arith.index_cast %rem3A_107 : i32 to index
      %swap3A_207 = arith.index_cast %swap3A_205 : i32 to index
      %swap3A_208 = arith.constant 16 : index
      %swap3A_209 = tpu.vector_load %arg7[%swap3A_206, %swap3A_207, %swap3A_208] {strides = array<i32>} : memref<2x8x64xf32, #tpu.memory_space<vmem>>, vector<1x1x16xf32>,
      %swap3A_210 = vector.shape_cast %swap3A_209 : vector<1x1x16xf32> to vector<16xf32>
      %swap3A_211 = vector.shape_cast %mul3A_204 : vector<16xf32> to vector<1x1x16xf32>
      tpu.vector_store %arg7[%swap3A_206, %swap3A_207, %swap3A_208], %swap3A_211 {strides = array<i32>} : memref<2x8x64xf32, #tpu.memory_space<vmem>>, vector<1x1x16xf32>,
      %mul3A_212 = arith.constant 2.000000e-02 : f32
      %mul3A_213 = vector.broadcast %mul3A_212 : f32 to vector<16xf32>
      %mul3A_214 = arith.mulf %scan3A_190#2, %mul3A_213 : vector<16xf32>
      %swap3A_215 = arith.constant 1 : i32
      %swap3A_216 = arith.index_cast %rem3A_107 : i32 to index
      %swap3A_217 = arith.index_cast %swap3A_215 : i32 to index
      %swap3A_218 = arith.constant 32 : index
      %swap3A_219 = tpu.vector_load %arg7[%swap3A_216, %swap3A_217, %swap3A_218] {strides = array<i32>} : memref<2x8x64xf32, #tpu.memory_space<vmem>>, vector<1x1x16xf32>,
      %swap3A_220 = vector.shape_cast %swap3A_219 : vector<1x1x16xf32> to vector<16xf32>
      %swap3A_221 = vector.shape_cast %mul3A_214 : vector<16xf32> to vector<1x1x16xf32>
      tpu.vector_store %arg7[%swap3A_216, %swap3A_217, %swap3A_218], %swap3A_221 {strides = array<i32>} : memref<2x8x64xf32, #tpu.memory_space<vmem>>, vector<1x1x16xf32>,
      %mul3A_222 = arith.constant 2.000000e-02 : f32
      %mul3A_223 = vector.broadcast %mul3A_222 : f32 to vector<16xf32>
      %mul3A_224 = arith.mulf %scan3A_190#3, %mul3A_223 : vector<16xf32>
      %swap3A_225 = arith.constant 1 : i32
      %swap3A_226 = arith.index_cast %rem3A_107 : i32 to index
      %swap3A_227 = arith.index_cast %swap3A_225 : i32 to index
      %swap3A_228 = arith.constant 48 : index
      %swap3A_229 = tpu.vector_load %arg7[%swap3A_226, %swap3A_227, %swap3A_228] {strides = array<i32>} : memref<2x8x64xf32, #tpu.memory_space<vmem>>, vector<1x1x16xf32>,
      %swap3A_230 = vector.shape_cast %swap3A_229 : vector<1x1x16xf32> to vector<16xf32>
      %swap3A_231 = vector.shape_cast %mul3A_224 : vector<16xf32> to vector<1x1x16xf32>
      tpu.vector_store %arg7[%swap3A_226, %swap3A_227, %swap3A_228], %swap3A_231 {strides = array<i32>} : memref<2x8x64xf32, #tpu.memory_space<vmem>>, vector<1x1x16xf32>,
      %add3A_232 = arith.constant 4 : i32
      %add3A_233 = arith.addi %add3A_111, %add3A_232 : i32
      %lt3A = arith.constant 256 : i32
      %lt3A_234 = arith.cmpi slt, %add3A_233, %lt3A : i32
      %convert_element_type3A_235 = arith.extui %lt3A_234 : i1 to i32
      %cond3A_236 = arith.constant 0 : i32
      %cond3A_237 = arith.cmpi ne, %convert_element_type3A_235, %cond3A_236 : i32
      scf.if %cond3A_237 {
        %add3A_650 = arith.constant 4 : i32
        %add3A_651 = arith.addi %add3A_111, %add3A_650 : i32
        %dma_start3A_652 = arith.constant 0 : i32
        %dma_start3A_653 = arith.constant 0 : i32
        %dma_start3A_654 = arith.constant 0 : i32
        %dma_start3A_655 = arith.constant 0 : i32
        %dma_start3A_656 = tpu.memref_slice %arg6[%dma_start3A_652, %dma_start3A_654, %dma_start3A_655] : memref<4x104x128xf32, #tpu.memory_space<vmem>> -> memref<1x104x128xf32, #tpu.memory_space<vmem>>
        %dma_start3A_657 = tpu.memref_squeeze %dma_start3A_656 : memref<1x104x128xf32, #tpu.memory_space<vmem>> -> memref<104x128xf32, #tpu.memory_space<vmem>>
        %dma_start3A_658 = arith.constant 0 : i32
        %dma_start3A_659 = tpu.memref_slice %arg5[%add3A_651, %dma_start3A_658] : memref<256x104xi32, #tpu.memory_space<vmem>> -> memref<1x104xi32, #tpu.memory_space<vmem>>
        %dma_start3A_660 = tpu.memref_squeeze %dma_start3A_659 : memref<1x104xi32, #tpu.memory_space<vmem>> -> memref<104xi32, #tpu.memory_space<vmem>>
        %dma_start3A_661 = arith.constant 0 : i32
        %dma_start3A_662 = arith.constant 0 : i32
        %dma_start3A_663 = tpu.memref_slice %arg3[%dma_start3A_661, %dma_start3A_662] : memref<1003520x128xf32, #tpu.memory_space<hbm>> -> memref<1003520x128xf32, #tpu.memory_space<hbm>>
        %dma_start3A_664 = tpu.memref_slice %arg8[%dma_start3A_653] : memref<4x!tpu.dma_semaphore, #tpu.memory_space<semaphore_mem>> -> memref<1x!tpu.dma_semaphore, #tpu.memory_space<semaphore_mem>>
        %dma_start3A_665 = tpu.memref_squeeze %dma_start3A_664 : memref<1x!tpu.dma_semaphore, #tpu.memory_space<semaphore_mem>> -> memref<!tpu.dma_semaphore, #tpu.memory_space<semaphore_mem>>
        tpu.enqueue_indirect_dma source(%dma_start3A_663 : memref<1003520x128xf32, #tpu.memory_space<hbm>>) target(%dma_start3A_657 : memref<104x128xf32, #tpu.memory_space<vmem>>) offsets(%dma_start3A_660 : memref<104xi32, #tpu.memory_space<vmem>>) semaphore(%dma_start3A_665 : memref<!tpu.dma_semaphore, #tpu.memory_space<semaphore_mem>>)
      } else {
      }
      %add3A_238 = arith.constant 1 : i32
      %add3A_239 = arith.addi %mul3A_106, %add3A_238 : i32
      %dma_wait3A_240 = arith.constant 1 : i32
      %dma_wait3A_241 = arith.constant 1 : i32
      %dma_wait3A_242 = arith.constant 0 : i32
      %dma_wait3A_243 = arith.constant 0 : i32
      %dma_wait3A_244 = tpu.memref_slice %arg6[%dma_wait3A_240, %dma_wait3A_242, %dma_wait3A_243] : memref<4x104x128xf32, #tpu.memory_space<vmem>> -> memref<1x104x128xf32, #tpu.memory_space<vmem>>
      %dma_wait3A_245 = tpu.memref_squeeze %dma_wait3A_244 : memref<1x104x128xf32, #tpu.memory_space<vmem>> -> memref<104x128xf32, #tpu.memory_space<vmem>>
      %dma_wait3A_246 = arith.constant 0 : i32
      %dma_wait3A_247 = tpu.memref_slice %arg5[%add3A_239, %dma_wait3A_246] : memref<256x104xi32, #tpu.memory_space<vmem>> -> memref<1x104xi32, #tpu.memory_space<vmem>>
      %dma_wait3A_248 = tpu.memref_squeeze %dma_wait3A_247 : memref<1x104xi32, #tpu.memory_space<vmem>> -> memref<104xi32, #tpu.memory_space<vmem>>
      %dma_wait3A_249 = arith.constant 0 : i32
      %dma_wait3A_250 = arith.constant 0 : i32
      %dma_wait3A_251 = tpu.memref_slice %arg3[%dma_wait3A_249, %dma_wait3A_250] : memref<1003520x128xf32, #tpu.memory_space<hbm>> -> memref<1003520x128xf32, #tpu.memory_space<hbm>>
      %dma_wait3A_252 = tpu.memref_slice %arg8[%dma_wait3A_241] : memref<4x!tpu.dma_semaphore, #tpu.memory_space<semaphore_mem>> -> memref<1x!tpu.dma_semaphore, #tpu.memory_space<semaphore_mem>>
      %dma_wait3A_253 = tpu.memref_squeeze %dma_wait3A_252 : memref<1x!tpu.dma_semaphore, #tpu.memory_space<semaphore_mem>> -> memref<!tpu.dma_semaphore, #tpu.memory_space<semaphore_mem>>
      tpu.wait_indirect_dma semaphore(%dma_wait3A_253 : memref<!tpu.dma_semaphore, #tpu.memory_space<semaphore_mem>>) src(%dma_wait3A_251 : memref<1003520x128xf32, #tpu.memory_space<hbm>>) dst(%dma_wait3A_245 : memref<104x128xf32, #tpu.memory_space<vmem>>)
      %broadcast_in_dim3A_254 = arith.constant 0.000000e+00 : f32
      %broadcast_in_dim3A_255 = vector.broadcast %broadcast_in_dim3A_254 : f32 to vector<16xf32>
      %broadcast_in_dim3A_256 = arith.constant 0.000000e+00 : f32
      %broadcast_in_dim3A_257 = vector.broadcast %broadcast_in_dim3A_256 : f32 to vector<16xf32>
      %broadcast_in_dim3A_258 = arith.constant 0.000000e+00 : f32
      %broadcast_in_dim3A_259 = vector.broadcast %broadcast_in_dim3A_258 : f32 to vector<16xf32>
      %broadcast_in_dim3A_260 = arith.constant 0.000000e+00 : f32
      %broadcast_in_dim3A_261 = vector.broadcast %broadcast_in_dim3A_260 : f32 to vector<16xf32>
      %scan3A_262 = arith.constant 0 : i32
      %scan3A_263 = arith.constant 50 : i32
      %scan3A_264 = arith.addi %scan3A_262, %scan3A_263 : i32
      %scan3A_265 = arith.constant 1 : i32
      %scan3A_266:4 = scf.for %scan3A_650 = %scan3A_262 to %scan3A_264 step %scan3A_265 iter_args(%scan3A_651 = %broadcast_in_dim3A_255, %scan3A_652 = %broadcast_in_dim3A_257, %scan3A_653 = %broadcast_in_dim3A_259, %scan3A_654 = %broadcast_in_dim3A_261) -> (vector<16xf32>, vector<16xf32>, vector<16xf32>, vector<16xf32>)  : i32 {
        %add3A_655 = arith.constant 0 : i32
        %add3A_656 = arith.addi %add3A_655, %scan3A_650 : i32
        %get3A = arith.constant 1 : i32
        %get3A_657 = arith.index_cast %get3A : i32 to index
        %get3A_658 = arith.index_cast %add3A_656 : i32 to index
        %get3A_659 = arith.constant 0 : index
        %get3A_660 = tpu.vector_load %arg6[%get3A_657, %get3A_658, %get3A_659] {strides = array<i32>} : memref<4x104x128xf32, #tpu.memory_space<vmem>>, vector<1x1x16xf32>,
        %get3A_661 = vector.shape_cast %get3A_660 : vector<1x1x16xf32> to vector<16xf32>
        %add3A_662 = arith.addf %scan3A_651, %get3A_661 : vector<16xf32>
        %add3A_663 = arith.constant 0 : i32
        %add3A_664 = arith.addi %add3A_663, %scan3A_650 : i32
        %get3A_665 = arith.constant 1 : i32
        %get3A_666 = arith.index_cast %get3A_665 : i32 to index
        %get3A_667 = arith.index_cast %add3A_664 : i32 to index
        %get3A_668 = arith.constant 16 : index
        %get3A_669 = tpu.vector_load %arg6[%get3A_666, %get3A_667, %get3A_668] {strides = array<i32>} : memref<4x104x128xf32, #tpu.memory_space<vmem>>, vector<1x1x16xf32>,
        %get3A_670 = vector.shape_cast %get3A_669 : vector<1x1x16xf32> to vector<16xf32>
        %add3A_671 = arith.addf %scan3A_652, %get3A_670 : vector<16xf32>
        %add3A_672 = arith.constant 0 : i32
        %add3A_673 = arith.addi %add3A_672, %scan3A_650 : i32
        %get3A_674 = arith.constant 1 : i32
        %get3A_675 = arith.index_cast %get3A_674 : i32 to index
        %get3A_676 = arith.index_cast %add3A_673 : i32 to index
        %get3A_677 = arith.constant 32 : index
        %get3A_678 = tpu.vector_load %arg6[%get3A_675, %get3A_676, %get3A_677] {strides = array<i32>} : memref<4x104x128xf32, #tpu.memory_space<vmem>>, vector<1x1x16xf32>,
        %get3A_679 = vector.shape_cast %get3A_678 : vector<1x1x16xf32> to vector<16xf32>
        %add3A_680 = arith.addf %scan3A_653, %get3A_679 : vector<16xf32>
        %add3A_681 = arith.constant 0 : i32
        %add3A_682 = arith.addi %add3A_681, %scan3A_650 : i32
        %get3A_683 = arith.constant 1 : i32
        %get3A_684 = arith.index_cast %get3A_683 : i32 to index
        %get3A_685 = arith.index_cast %add3A_682 : i32 to index
        %get3A_686 = arith.constant 48 : index
        %get3A_687 = tpu.vector_load %arg6[%get3A_684, %get3A_685, %get3A_686] {strides = array<i32>} : memref<4x104x128xf32, #tpu.memory_space<vmem>>, vector<1x1x16xf32>,
        %get3A_688 = vector.shape_cast %get3A_687 : vector<1x1x16xf32> to vector<16xf32>
        %add3A_689 = arith.addf %scan3A_654, %get3A_688 : vector<16xf32>
        scf.yield %add3A_662, %add3A_671, %add3A_680, %add3A_689 : vector<16xf32>, vector<16xf32>, vector<16xf32>, vector<16xf32>
      }
      %scan3A_267 = arith.constant 50 : i32
      %mul3A_268 = arith.constant 2.000000e-02 : f32
      %mul3A_269 = vector.broadcast %mul3A_268 : f32 to vector<16xf32>
      %mul3A_270 = arith.mulf %scan3A_266#0, %mul3A_269 : vector<16xf32>
      %swap3A_271 = arith.constant 2 : i32
      %swap3A_272 = arith.index_cast %rem3A_107 : i32 to index
      %swap3A_273 = arith.index_cast %swap3A_271 : i32 to index
      %swap3A_274 = arith.constant 0 : index
      %swap3A_275 = tpu.vector_load %arg7[%swap3A_272, %swap3A_273, %swap3A_274] {strides = array<i32>} : memref<2x8x64xf32, #tpu.memory_space<vmem>>, vector<1x1x16xf32>,
      %swap3A_276 = vector.shape_cast %swap3A_275 : vector<1x1x16xf32> to vector<16xf32>
      %swap3A_277 = vector.shape_cast %mul3A_270 : vector<16xf32> to vector<1x1x16xf32>
      tpu.vector_store %arg7[%swap3A_272, %swap3A_273, %swap3A_274], %swap3A_277 {strides = array<i32>} : memref<2x8x64xf32, #tpu.memory_space<vmem>>, vector<1x1x16xf32>,
      %mul3A_278 = arith.constant 2.000000e-02 : f32
      %mul3A_279 = vector.broadcast %mul3A_278 : f32 to vector<16xf32>
      %mul3A_280 = arith.mulf %scan3A_266#1, %mul3A_279 : vector<16xf32>
      %swap3A_281 = arith.constant 2 : i32
      %swap3A_282 = arith.index_cast %rem3A_107 : i32 to index
      %swap3A_283 = arith.index_cast %swap3A_281 : i32 to index
      %swap3A_284 = arith.constant 16 : index
      %swap3A_285 = tpu.vector_load %arg7[%swap3A_282, %swap3A_283, %swap3A_284] {strides = array<i32>} : memref<2x8x64xf32, #tpu.memory_space<vmem>>, vector<1x1x16xf32>,
      %swap3A_286 = vector.shape_cast %swap3A_285 : vector<1x1x16xf32> to vector<16xf32>
      %swap3A_287 = vector.shape_cast %mul3A_280 : vector<16xf32> to vector<1x1x16xf32>
      tpu.vector_store %arg7[%swap3A_282, %swap3A_283, %swap3A_284], %swap3A_287 {strides = array<i32>} : memref<2x8x64xf32, #tpu.memory_space<vmem>>, vector<1x1x16xf32>,
      %mul3A_288 = arith.constant 2.000000e-02 : f32
      %mul3A_289 = vector.broadcast %mul3A_288 : f32 to vector<16xf32>
      %mul3A_290 = arith.mulf %scan3A_266#2, %mul3A_289 : vector<16xf32>
      %swap3A_291 = arith.constant 2 : i32
      %swap3A_292 = arith.index_cast %rem3A_107 : i32 to index
      %swap3A_293 = arith.index_cast %swap3A_291 : i32 to index
      %swap3A_294 = arith.constant 32 : index
      %swap3A_295 = tpu.vector_load %arg7[%swap3A_292, %swap3A_293, %swap3A_294] {strides = array<i32>} : memref<2x8x64xf32, #tpu.memory_space<vmem>>, vector<1x1x16xf32>,
      %swap3A_296 = vector.shape_cast %swap3A_295 : vector<1x1x16xf32> to vector<16xf32>
      %swap3A_297 = vector.shape_cast %mul3A_290 : vector<16xf32> to vector<1x1x16xf32>
      tpu.vector_store %arg7[%swap3A_292, %swap3A_293, %swap3A_294], %swap3A_297 {strides = array<i32>} : memref<2x8x64xf32, #tpu.memory_space<vmem>>, vector<1x1x16xf32>,
      %mul3A_298 = arith.constant 2.000000e-02 : f32
      %mul3A_299 = vector.broadcast %mul3A_298 : f32 to vector<16xf32>
      %mul3A_300 = arith.mulf %scan3A_266#3, %mul3A_299 : vector<16xf32>
      %swap3A_301 = arith.constant 2 : i32
      %swap3A_302 = arith.index_cast %rem3A_107 : i32 to index
      %swap3A_303 = arith.index_cast %swap3A_301 : i32 to index
      %swap3A_304 = arith.constant 48 : index
      %swap3A_305 = tpu.vector_load %arg7[%swap3A_302, %swap3A_303, %swap3A_304] {strides = array<i32>} : memref<2x8x64xf32, #tpu.memory_space<vmem>>, vector<1x1x16xf32>,
      %swap3A_306 = vector.shape_cast %swap3A_305 : vector<1x1x16xf32> to vector<16xf32>
      %swap3A_307 = vector.shape_cast %mul3A_300 : vector<16xf32> to vector<1x1x16xf32>
      tpu.vector_store %arg7[%swap3A_302, %swap3A_303, %swap3A_304], %swap3A_307 {strides = array<i32>} : memref<2x8x64xf32, #tpu.memory_space<vmem>>, vector<1x1x16xf32>,
      %broadcast_in_dim3A_308 = arith.constant 0.000000e+00 : f32
      %broadcast_in_dim3A_309 = vector.broadcast %broadcast_in_dim3A_308 : f32 to vector<16xf32>
      %broadcast_in_dim3A_310 = arith.constant 0.000000e+00 : f32
      %broadcast_in_dim3A_311 = vector.broadcast %broadcast_in_dim3A_310 : f32 to vector<16xf32>
      %broadcast_in_dim3A_312 = arith.constant 0.000000e+00 : f32
      %broadcast_in_dim3A_313 = vector.broadcast %broadcast_in_dim3A_312 : f32 to vector<16xf32>
      %broadcast_in_dim3A_314 = arith.constant 0.000000e+00 : f32
      %broadcast_in_dim3A_315 = vector.broadcast %broadcast_in_dim3A_314 : f32 to vector<16xf32>
      %scan3A_316 = arith.constant 0 : i32
      %scan3A_317 = arith.constant 50 : i32
      %scan3A_318 = arith.addi %scan3A_316, %scan3A_317 : i32
      %scan3A_319 = arith.constant 1 : i32
      %scan3A_320:4 = scf.for %scan3A_650 = %scan3A_316 to %scan3A_318 step %scan3A_319 iter_args(%scan3A_651 = %broadcast_in_dim3A_309, %scan3A_652 = %broadcast_in_dim3A_311, %scan3A_653 = %broadcast_in_dim3A_313, %scan3A_654 = %broadcast_in_dim3A_315) -> (vector<16xf32>, vector<16xf32>, vector<16xf32>, vector<16xf32>)  : i32 {
        %add3A_655 = arith.constant 50 : i32
        %add3A_656 = arith.addi %add3A_655, %scan3A_650 : i32
        %get3A = arith.constant 1 : i32
        %get3A_657 = arith.index_cast %get3A : i32 to index
        %get3A_658 = arith.index_cast %add3A_656 : i32 to index
        %get3A_659 = arith.constant 0 : index
        %get3A_660 = tpu.vector_load %arg6[%get3A_657, %get3A_658, %get3A_659] {strides = array<i32>} : memref<4x104x128xf32, #tpu.memory_space<vmem>>, vector<1x1x16xf32>,
        %get3A_661 = vector.shape_cast %get3A_660 : vector<1x1x16xf32> to vector<16xf32>
        %add3A_662 = arith.addf %scan3A_651, %get3A_661 : vector<16xf32>
        %add3A_663 = arith.constant 50 : i32
        %add3A_664 = arith.addi %add3A_663, %scan3A_650 : i32
        %get3A_665 = arith.constant 1 : i32
        %get3A_666 = arith.index_cast %get3A_665 : i32 to index
        %get3A_667 = arith.index_cast %add3A_664 : i32 to index
        %get3A_668 = arith.constant 16 : index
        %get3A_669 = tpu.vector_load %arg6[%get3A_666, %get3A_667, %get3A_668] {strides = array<i32>} : memref<4x104x128xf32, #tpu.memory_space<vmem>>, vector<1x1x16xf32>,
        %get3A_670 = vector.shape_cast %get3A_669 : vector<1x1x16xf32> to vector<16xf32>
        %add3A_671 = arith.addf %scan3A_652, %get3A_670 : vector<16xf32>
        %add3A_672 = arith.constant 50 : i32
        %add3A_673 = arith.addi %add3A_672, %scan3A_650 : i32
        %get3A_674 = arith.constant 1 : i32
        %get3A_675 = arith.index_cast %get3A_674 : i32 to index
        %get3A_676 = arith.index_cast %add3A_673 : i32 to index
        %get3A_677 = arith.constant 32 : index
        %get3A_678 = tpu.vector_load %arg6[%get3A_675, %get3A_676, %get3A_677] {strides = array<i32>} : memref<4x104x128xf32, #tpu.memory_space<vmem>>, vector<1x1x16xf32>,
        %get3A_679 = vector.shape_cast %get3A_678 : vector<1x1x16xf32> to vector<16xf32>
        %add3A_680 = arith.addf %scan3A_653, %get3A_679 : vector<16xf32>
        %add3A_681 = arith.constant 50 : i32
        %add3A_682 = arith.addi %add3A_681, %scan3A_650 : i32
        %get3A_683 = arith.constant 1 : i32
        %get3A_684 = arith.index_cast %get3A_683 : i32 to index
        %get3A_685 = arith.index_cast %add3A_682 : i32 to index
        %get3A_686 = arith.constant 48 : index
        %get3A_687 = tpu.vector_load %arg6[%get3A_684, %get3A_685, %get3A_686] {strides = array<i32>} : memref<4x104x128xf32, #tpu.memory_space<vmem>>, vector<1x1x16xf32>,
        %get3A_688 = vector.shape_cast %get3A_687 : vector<1x1x16xf32> to vector<16xf32>
        %add3A_689 = arith.addf %scan3A_654, %get3A_688 : vector<16xf32>
        scf.yield %add3A_662, %add3A_671, %add3A_680, %add3A_689 : vector<16xf32>, vector<16xf32>, vector<16xf32>, vector<16xf32>
      }
      %scan3A_321 = arith.constant 50 : i32
      %mul3A_322 = arith.constant 2.000000e-02 : f32
      %mul3A_323 = vector.broadcast %mul3A_322 : f32 to vector<16xf32>
      %mul3A_324 = arith.mulf %scan3A_320#0, %mul3A_323 : vector<16xf32>
      %swap3A_325 = arith.constant 3 : i32
      %swap3A_326 = arith.index_cast %rem3A_107 : i32 to index
      %swap3A_327 = arith.index_cast %swap3A_325 : i32 to index
      %swap3A_328 = arith.constant 0 : index
      %swap3A_329 = tpu.vector_load %arg7[%swap3A_326, %swap3A_327, %swap3A_328] {strides = array<i32>} : memref<2x8x64xf32, #tpu.memory_space<vmem>>, vector<1x1x16xf32>,
      %swap3A_330 = vector.shape_cast %swap3A_329 : vector<1x1x16xf32> to vector<16xf32>
      %swap3A_331 = vector.shape_cast %mul3A_324 : vector<16xf32> to vector<1x1x16xf32>
      tpu.vector_store %arg7[%swap3A_326, %swap3A_327, %swap3A_328], %swap3A_331 {strides = array<i32>} : memref<2x8x64xf32, #tpu.memory_space<vmem>>, vector<1x1x16xf32>,
      %mul3A_332 = arith.constant 2.000000e-02 : f32
      %mul3A_333 = vector.broadcast %mul3A_332 : f32 to vector<16xf32>
      %mul3A_334 = arith.mulf %scan3A_320#1, %mul3A_333 : vector<16xf32>
      %swap3A_335 = arith.constant 3 : i32
      %swap3A_336 = arith.index_cast %rem3A_107 : i32 to index
      %swap3A_337 = arith.index_cast %swap3A_335 : i32 to index
      %swap3A_338 = arith.constant 16 : index
      %swap3A_339 = tpu.vector_load %arg7[%swap3A_336, %swap3A_337, %swap3A_338] {strides = array<i32>} : memref<2x8x64xf32, #tpu.memory_space<vmem>>, vector<1x1x16xf32>,
      %swap3A_340 = vector.shape_cast %swap3A_339 : vector<1x1x16xf32> to vector<16xf32>
      %swap3A_341 = vector.shape_cast %mul3A_334 : vector<16xf32> to vector<1x1x16xf32>
      tpu.vector_store %arg7[%swap3A_336, %swap3A_337, %swap3A_338], %swap3A_341 {strides = array<i32>} : memref<2x8x64xf32, #tpu.memory_space<vmem>>, vector<1x1x16xf32>,
      %mul3A_342 = arith.constant 2.000000e-02 : f32
      %mul3A_343 = vector.broadcast %mul3A_342 : f32 to vector<16xf32>
      %mul3A_344 = arith.mulf %scan3A_320#2, %mul3A_343 : vector<16xf32>
      %swap3A_345 = arith.constant 3 : i32
      %swap3A_346 = arith.index_cast %rem3A_107 : i32 to index
      %swap3A_347 = arith.index_cast %swap3A_345 : i32 to index
      %swap3A_348 = arith.constant 32 : index
      %swap3A_349 = tpu.vector_load %arg7[%swap3A_346, %swap3A_347, %swap3A_348] {strides = array<i32>} : memref<2x8x64xf32, #tpu.memory_space<vmem>>, vector<1x1x16xf32>,
      %swap3A_350 = vector.shape_cast %swap3A_349 : vector<1x1x16xf32> to vector<16xf32>
      %swap3A_351 = vector.shape_cast %mul3A_344 : vector<16xf32> to vector<1x1x16xf32>
      tpu.vector_store %arg7[%swap3A_346, %swap3A_347, %swap3A_348], %swap3A_351 {strides = array<i32>} : memref<2x8x64xf32, #tpu.memory_space<vmem>>, vector<1x1x16xf32>,
      %mul3A_352 = arith.constant 2.000000e-02 : f32
      %mul3A_353 = vector.broadcast %mul3A_352 : f32 to vector<16xf32>
      %mul3A_354 = arith.mulf %scan3A_320#3, %mul3A_353 : vector<16xf32>
      %swap3A_355 = arith.constant 3 : i32
      %swap3A_356 = arith.index_cast %rem3A_107 : i32 to index
      %swap3A_357 = arith.index_cast %swap3A_355 : i32 to index
      %swap3A_358 = arith.constant 48 : index
      %swap3A_359 = tpu.vector_load %arg7[%swap3A_356, %swap3A_357, %swap3A_358] {strides = array<i32>} : memref<2x8x64xf32, #tpu.memory_space<vmem>>, vector<1x1x16xf32>,
      %swap3A_360 = vector.shape_cast %swap3A_359 : vector<1x1x16xf32> to vector<16xf32>
      %swap3A_361 = vector.shape_cast %mul3A_354 : vector<16xf32> to vector<1x1x16xf32>
      tpu.vector_store %arg7[%swap3A_356, %swap3A_357, %swap3A_358], %swap3A_361 {strides = array<i32>} : memref<2x8x64xf32, #tpu.memory_space<vmem>>, vector<1x1x16xf32>,
      %add3A_362 = arith.constant 4 : i32
      %add3A_363 = arith.addi %add3A_239, %add3A_362 : i32
      %lt3A_364 = arith.constant 256 : i32
      %lt3A_365 = arith.cmpi slt, %add3A_363, %lt3A_364 : i32
      %convert_element_type3A_366 = arith.extui %lt3A_365 : i1 to i32
      %cond3A_367 = arith.constant 0 : i32
      %cond3A_368 = arith.cmpi ne, %convert_element_type3A_366, %cond3A_367 : i32
      scf.if %cond3A_368 {
        %add3A_650 = arith.constant 4 : i32
        %add3A_651 = arith.addi %add3A_239, %add3A_650 : i32
        %dma_start3A_652 = arith.constant 1 : i32
        %dma_start3A_653 = arith.constant 1 : i32
        %dma_start3A_654 = arith.constant 0 : i32
        %dma_start3A_655 = arith.constant 0 : i32
        %dma_start3A_656 = tpu.memref_slice %arg6[%dma_start3A_652, %dma_start3A_654, %dma_start3A_655] : memref<4x104x128xf32, #tpu.memory_space<vmem>> -> memref<1x104x128xf32, #tpu.memory_space<vmem>>
        %dma_start3A_657 = tpu.memref_squeeze %dma_start3A_656 : memref<1x104x128xf32, #tpu.memory_space<vmem>> -> memref<104x128xf32, #tpu.memory_space<vmem>>
        %dma_start3A_658 = arith.constant 0 : i32
        %dma_start3A_659 = tpu.memref_slice %arg5[%add3A_651, %dma_start3A_658] : memref<256x104xi32, #tpu.memory_space<vmem>> -> memref<1x104xi32, #tpu.memory_space<vmem>>
        %dma_start3A_660 = tpu.memref_squeeze %dma_start3A_659 : memref<1x104xi32, #tpu.memory_space<vmem>> -> memref<104xi32, #tpu.memory_space<vmem>>
        %dma_start3A_661 = arith.constant 0 : i32
        %dma_start3A_662 = arith.constant 0 : i32
        %dma_start3A_663 = tpu.memref_slice %arg3[%dma_start3A_661, %dma_start3A_662] : memref<1003520x128xf32, #tpu.memory_space<hbm>> -> memref<1003520x128xf32, #tpu.memory_space<hbm>>
        %dma_start3A_664 = tpu.memref_slice %arg8[%dma_start3A_653] : memref<4x!tpu.dma_semaphore, #tpu.memory_space<semaphore_mem>> -> memref<1x!tpu.dma_semaphore, #tpu.memory_space<semaphore_mem>>
        %dma_start3A_665 = tpu.memref_squeeze %dma_start3A_664 : memref<1x!tpu.dma_semaphore, #tpu.memory_space<semaphore_mem>> -> memref<!tpu.dma_semaphore, #tpu.memory_space<semaphore_mem>>
        tpu.enqueue_indirect_dma source(%dma_start3A_663 : memref<1003520x128xf32, #tpu.memory_space<hbm>>) target(%dma_start3A_657 : memref<104x128xf32, #tpu.memory_space<vmem>>) offsets(%dma_start3A_660 : memref<104xi32, #tpu.memory_space<vmem>>) semaphore(%dma_start3A_665 : memref<!tpu.dma_semaphore, #tpu.memory_space<semaphore_mem>>)
      } else {
      }
      %add3A_369 = arith.constant 2 : i32
      %add3A_370 = arith.addi %mul3A_106, %add3A_369 : i32
      %dma_wait3A_371 = arith.constant 2 : i32
      %dma_wait3A_372 = arith.constant 2 : i32
      %dma_wait3A_373 = arith.constant 0 : i32
      %dma_wait3A_374 = arith.constant 0 : i32
      %dma_wait3A_375 = tpu.memref_slice %arg6[%dma_wait3A_371, %dma_wait3A_373, %dma_wait3A_374] : memref<4x104x128xf32, #tpu.memory_space<vmem>> -> memref<1x104x128xf32, #tpu.memory_space<vmem>>
      %dma_wait3A_376 = tpu.memref_squeeze %dma_wait3A_375 : memref<1x104x128xf32, #tpu.memory_space<vmem>> -> memref<104x128xf32, #tpu.memory_space<vmem>>
      %dma_wait3A_377 = arith.constant 0 : i32
      %dma_wait3A_378 = tpu.memref_slice %arg5[%add3A_370, %dma_wait3A_377] : memref<256x104xi32, #tpu.memory_space<vmem>> -> memref<1x104xi32, #tpu.memory_space<vmem>>
      %dma_wait3A_379 = tpu.memref_squeeze %dma_wait3A_378 : memref<1x104xi32, #tpu.memory_space<vmem>> -> memref<104xi32, #tpu.memory_space<vmem>>
      %dma_wait3A_380 = arith.constant 0 : i32
      %dma_wait3A_381 = arith.constant 0 : i32
      %dma_wait3A_382 = tpu.memref_slice %arg3[%dma_wait3A_380, %dma_wait3A_381] : memref<1003520x128xf32, #tpu.memory_space<hbm>> -> memref<1003520x128xf32, #tpu.memory_space<hbm>>
      %dma_wait3A_383 = tpu.memref_slice %arg8[%dma_wait3A_372] : memref<4x!tpu.dma_semaphore, #tpu.memory_space<semaphore_mem>> -> memref<1x!tpu.dma_semaphore, #tpu.memory_space<semaphore_mem>>
      %dma_wait3A_384 = tpu.memref_squeeze %dma_wait3A_383 : memref<1x!tpu.dma_semaphore, #tpu.memory_space<semaphore_mem>> -> memref<!tpu.dma_semaphore, #tpu.memory_space<semaphore_mem>>
      tpu.wait_indirect_dma semaphore(%dma_wait3A_384 : memref<!tpu.dma_semaphore, #tpu.memory_space<semaphore_mem>>) src(%dma_wait3A_382 : memref<1003520x128xf32, #tpu.memory_space<hbm>>) dst(%dma_wait3A_376 : memref<104x128xf32, #tpu.memory_space<vmem>>)
      %broadcast_in_dim3A_385 = arith.constant 0.000000e+00 : f32
      %broadcast_in_dim3A_386 = vector.broadcast %broadcast_in_dim3A_385 : f32 to vector<16xf32>
      %broadcast_in_dim3A_387 = arith.constant 0.000000e+00 : f32
      %broadcast_in_dim3A_388 = vector.broadcast %broadcast_in_dim3A_387 : f32 to vector<16xf32>
      %broadcast_in_dim3A_389 = arith.constant 0.000000e+00 : f32
      %broadcast_in_dim3A_390 = vector.broadcast %broadcast_in_dim3A_389 : f32 to vector<16xf32>
      %broadcast_in_dim3A_391 = arith.constant 0.000000e+00 : f32
      %broadcast_in_dim3A_392 = vector.broadcast %broadcast_in_dim3A_391 : f32 to vector<16xf32>
      %scan3A_393 = arith.constant 0 : i32
      %scan3A_394 = arith.constant 50 : i32
      %scan3A_395 = arith.addi %scan3A_393, %scan3A_394 : i32
      %scan3A_396 = arith.constant 1 : i32
      %scan3A_397:4 = scf.for %scan3A_650 = %scan3A_393 to %scan3A_395 step %scan3A_396 iter_args(%scan3A_651 = %broadcast_in_dim3A_386, %scan3A_652 = %broadcast_in_dim3A_388, %scan3A_653 = %broadcast_in_dim3A_390, %scan3A_654 = %broadcast_in_dim3A_392) -> (vector<16xf32>, vector<16xf32>, vector<16xf32>, vector<16xf32>)  : i32 {
        %add3A_655 = arith.constant 0 : i32
        %add3A_656 = arith.addi %add3A_655, %scan3A_650 : i32
        %get3A = arith.constant 2 : i32
        %get3A_657 = arith.index_cast %get3A : i32 to index
        %get3A_658 = arith.index_cast %add3A_656 : i32 to index
        %get3A_659 = arith.constant 0 : index
        %get3A_660 = tpu.vector_load %arg6[%get3A_657, %get3A_658, %get3A_659] {strides = array<i32>} : memref<4x104x128xf32, #tpu.memory_space<vmem>>, vector<1x1x16xf32>,
        %get3A_661 = vector.shape_cast %get3A_660 : vector<1x1x16xf32> to vector<16xf32>
        %add3A_662 = arith.addf %scan3A_651, %get3A_661 : vector<16xf32>
        %add3A_663 = arith.constant 0 : i32
        %add3A_664 = arith.addi %add3A_663, %scan3A_650 : i32
        %get3A_665 = arith.constant 2 : i32
        %get3A_666 = arith.index_cast %get3A_665 : i32 to index
        %get3A_667 = arith.index_cast %add3A_664 : i32 to index
        %get3A_668 = arith.constant 16 : index
        %get3A_669 = tpu.vector_load %arg6[%get3A_666, %get3A_667, %get3A_668] {strides = array<i32>} : memref<4x104x128xf32, #tpu.memory_space<vmem>>, vector<1x1x16xf32>,
        %get3A_670 = vector.shape_cast %get3A_669 : vector<1x1x16xf32> to vector<16xf32>
        %add3A_671 = arith.addf %scan3A_652, %get3A_670 : vector<16xf32>
        %add3A_672 = arith.constant 0 : i32
        %add3A_673 = arith.addi %add3A_672, %scan3A_650 : i32
        %get3A_674 = arith.constant 2 : i32
        %get3A_675 = arith.index_cast %get3A_674 : i32 to index
        %get3A_676 = arith.index_cast %add3A_673 : i32 to index
        %get3A_677 = arith.constant 32 : index
        %get3A_678 = tpu.vector_load %arg6[%get3A_675, %get3A_676, %get3A_677] {strides = array<i32>} : memref<4x104x128xf32, #tpu.memory_space<vmem>>, vector<1x1x16xf32>,
        %get3A_679 = vector.shape_cast %get3A_678 : vector<1x1x16xf32> to vector<16xf32>
        %add3A_680 = arith.addf %scan3A_653, %get3A_679 : vector<16xf32>
        %add3A_681 = arith.constant 0 : i32
        %add3A_682 = arith.addi %add3A_681, %scan3A_650 : i32
        %get3A_683 = arith.constant 2 : i32
        %get3A_684 = arith.index_cast %get3A_683 : i32 to index
        %get3A_685 = arith.index_cast %add3A_682 : i32 to index
        %get3A_686 = arith.constant 48 : index
        %get3A_687 = tpu.vector_load %arg6[%get3A_684, %get3A_685, %get3A_686] {strides = array<i32>} : memref<4x104x128xf32, #tpu.memory_space<vmem>>, vector<1x1x16xf32>,
        %get3A_688 = vector.shape_cast %get3A_687 : vector<1x1x16xf32> to vector<16xf32>
        %add3A_689 = arith.addf %scan3A_654, %get3A_688 : vector<16xf32>
        scf.yield %add3A_662, %add3A_671, %add3A_680, %add3A_689 : vector<16xf32>, vector<16xf32>, vector<16xf32>, vector<16xf32>
      }
      %scan3A_398 = arith.constant 50 : i32
      %mul3A_399 = arith.constant 2.000000e-02 : f32
      %mul3A_400 = vector.broadcast %mul3A_399 : f32 to vector<16xf32>
      %mul3A_401 = arith.mulf %scan3A_397#0, %mul3A_400 : vector<16xf32>
      %swap3A_402 = arith.constant 4 : i32
      %swap3A_403 = arith.index_cast %rem3A_107 : i32 to index
      %swap3A_404 = arith.index_cast %swap3A_402 : i32 to index
      %swap3A_405 = arith.constant 0 : index
      %swap3A_406 = tpu.vector_load %arg7[%swap3A_403, %swap3A_404, %swap3A_405] {strides = array<i32>} : memref<2x8x64xf32, #tpu.memory_space<vmem>>, vector<1x1x16xf32>,
      %swap3A_407 = vector.shape_cast %swap3A_406 : vector<1x1x16xf32> to vector<16xf32>
      %swap3A_408 = vector.shape_cast %mul3A_401 : vector<16xf32> to vector<1x1x16xf32>
      tpu.vector_store %arg7[%swap3A_403, %swap3A_404, %swap3A_405], %swap3A_408 {strides = array<i32>} : memref<2x8x64xf32, #tpu.memory_space<vmem>>, vector<1x1x16xf32>,
      %mul3A_409 = arith.constant 2.000000e-02 : f32
      %mul3A_410 = vector.broadcast %mul3A_409 : f32 to vector<16xf32>
      %mul3A_411 = arith.mulf %scan3A_397#1, %mul3A_410 : vector<16xf32>
      %swap3A_412 = arith.constant 4 : i32
      %swap3A_413 = arith.index_cast %rem3A_107 : i32 to index
      %swap3A_414 = arith.index_cast %swap3A_412 : i32 to index
      %swap3A_415 = arith.constant 16 : index
      %swap3A_416 = tpu.vector_load %arg7[%swap3A_413, %swap3A_414, %swap3A_415] {strides = array<i32>} : memref<2x8x64xf32, #tpu.memory_space<vmem>>, vector<1x1x16xf32>,
      %swap3A_417 = vector.shape_cast %swap3A_416 : vector<1x1x16xf32> to vector<16xf32>
      %swap3A_418 = vector.shape_cast %mul3A_411 : vector<16xf32> to vector<1x1x16xf32>
      tpu.vector_store %arg7[%swap3A_413, %swap3A_414, %swap3A_415], %swap3A_418 {strides = array<i32>} : memref<2x8x64xf32, #tpu.memory_space<vmem>>, vector<1x1x16xf32>,
      %mul3A_419 = arith.constant 2.000000e-02 : f32
      %mul3A_420 = vector.broadcast %mul3A_419 : f32 to vector<16xf32>
      %mul3A_421 = arith.mulf %scan3A_397#2, %mul3A_420 : vector<16xf32>
      %swap3A_422 = arith.constant 4 : i32
      %swap3A_423 = arith.index_cast %rem3A_107 : i32 to index
      %swap3A_424 = arith.index_cast %swap3A_422 : i32 to index
      %swap3A_425 = arith.constant 32 : index
      %swap3A_426 = tpu.vector_load %arg7[%swap3A_423, %swap3A_424, %swap3A_425] {strides = array<i32>} : memref<2x8x64xf32, #tpu.memory_space<vmem>>, vector<1x1x16xf32>,
      %swap3A_427 = vector.shape_cast %swap3A_426 : vector<1x1x16xf32> to vector<16xf32>
      %swap3A_428 = vector.shape_cast %mul3A_421 : vector<16xf32> to vector<1x1x16xf32>
      tpu.vector_store %arg7[%swap3A_423, %swap3A_424, %swap3A_425], %swap3A_428 {strides = array<i32>} : memref<2x8x64xf32, #tpu.memory_space<vmem>>, vector<1x1x16xf32>,
      %mul3A_429 = arith.constant 2.000000e-02 : f32
      %mul3A_430 = vector.broadcast %mul3A_429 : f32 to vector<16xf32>
      %mul3A_431 = arith.mulf %scan3A_397#3, %mul3A_430 : vector<16xf32>
      %swap3A_432 = arith.constant 4 : i32
      %swap3A_433 = arith.index_cast %rem3A_107 : i32 to index
      %swap3A_434 = arith.index_cast %swap3A_432 : i32 to index
      %swap3A_435 = arith.constant 48 : index
      %swap3A_436 = tpu.vector_load %arg7[%swap3A_433, %swap3A_434, %swap3A_435] {strides = array<i32>} : memref<2x8x64xf32, #tpu.memory_space<vmem>>, vector<1x1x16xf32>,
      %swap3A_437 = vector.shape_cast %swap3A_436 : vector<1x1x16xf32> to vector<16xf32>
      %swap3A_438 = vector.shape_cast %mul3A_431 : vector<16xf32> to vector<1x1x16xf32>
      tpu.vector_store %arg7[%swap3A_433, %swap3A_434, %swap3A_435], %swap3A_438 {strides = array<i32>} : memref<2x8x64xf32, #tpu.memory_space<vmem>>, vector<1x1x16xf32>,
      %broadcast_in_dim3A_439 = arith.constant 0.000000e+00 : f32
      %broadcast_in_dim3A_440 = vector.broadcast %broadcast_in_dim3A_439 : f32 to vector<16xf32>
      %broadcast_in_dim3A_441 = arith.constant 0.000000e+00 : f32
      %broadcast_in_dim3A_442 = vector.broadcast %broadcast_in_dim3A_441 : f32 to vector<16xf32>
      %broadcast_in_dim3A_443 = arith.constant 0.000000e+00 : f32
      %broadcast_in_dim3A_444 = vector.broadcast %broadcast_in_dim3A_443 : f32 to vector<16xf32>
      %broadcast_in_dim3A_445 = arith.constant 0.000000e+00 : f32
      %broadcast_in_dim3A_446 = vector.broadcast %broadcast_in_dim3A_445 : f32 to vector<16xf32>
      %scan3A_447 = arith.constant 0 : i32
      %scan3A_448 = arith.constant 50 : i32
      %scan3A_449 = arith.addi %scan3A_447, %scan3A_448 : i32
      %scan3A_450 = arith.constant 1 : i32
      %scan3A_451:4 = scf.for %scan3A_650 = %scan3A_447 to %scan3A_449 step %scan3A_450 iter_args(%scan3A_651 = %broadcast_in_dim3A_440, %scan3A_652 = %broadcast_in_dim3A_442, %scan3A_653 = %broadcast_in_dim3A_444, %scan3A_654 = %broadcast_in_dim3A_446) -> (vector<16xf32>, vector<16xf32>, vector<16xf32>, vector<16xf32>)  : i32 {
        %add3A_655 = arith.constant 50 : i32
        %add3A_656 = arith.addi %add3A_655, %scan3A_650 : i32
        %get3A = arith.constant 2 : i32
        %get3A_657 = arith.index_cast %get3A : i32 to index
        %get3A_658 = arith.index_cast %add3A_656 : i32 to index
        %get3A_659 = arith.constant 0 : index
        %get3A_660 = tpu.vector_load %arg6[%get3A_657, %get3A_658, %get3A_659] {strides = array<i32>} : memref<4x104x128xf32, #tpu.memory_space<vmem>>, vector<1x1x16xf32>,
        %get3A_661 = vector.shape_cast %get3A_660 : vector<1x1x16xf32> to vector<16xf32>
        %add3A_662 = arith.addf %scan3A_651, %get3A_661 : vector<16xf32>
        %add3A_663 = arith.constant 50 : i32
        %add3A_664 = arith.addi %add3A_663, %scan3A_650 : i32
        %get3A_665 = arith.constant 2 : i32
        %get3A_666 = arith.index_cast %get3A_665 : i32 to index
        %get3A_667 = arith.index_cast %add3A_664 : i32 to index
        %get3A_668 = arith.constant 16 : index
        %get3A_669 = tpu.vector_load %arg6[%get3A_666, %get3A_667, %get3A_668] {strides = array<i32>} : memref<4x104x128xf32, #tpu.memory_space<vmem>>, vector<1x1x16xf32>,
        %get3A_670 = vector.shape_cast %get3A_669 : vector<1x1x16xf32> to vector<16xf32>
        %add3A_671 = arith.addf %scan3A_652, %get3A_670 : vector<16xf32>
        %add3A_672 = arith.constant 50 : i32
        %add3A_673 = arith.addi %add3A_672, %scan3A_650 : i32
        %get3A_674 = arith.constant 2 : i32
        %get3A_675 = arith.index_cast %get3A_674 : i32 to index
        %get3A_676 = arith.index_cast %add3A_673 : i32 to index
        %get3A_677 = arith.constant 32 : index
        %get3A_678 = tpu.vector_load %arg6[%get3A_675, %get3A_676, %get3A_677] {strides = array<i32>} : memref<4x104x128xf32, #tpu.memory_space<vmem>>, vector<1x1x16xf32>,
        %get3A_679 = vector.shape_cast %get3A_678 : vector<1x1x16xf32> to vector<16xf32>
        %add3A_680 = arith.addf %scan3A_653, %get3A_679 : vector<16xf32>
        %add3A_681 = arith.constant 50 : i32
        %add3A_682 = arith.addi %add3A_681, %scan3A_650 : i32
        %get3A_683 = arith.constant 2 : i32
        %get3A_684 = arith.index_cast %get3A_683 : i32 to index
        %get3A_685 = arith.index_cast %add3A_682 : i32 to index
        %get3A_686 = arith.constant 48 : index
        %get3A_687 = tpu.vector_load %arg6[%get3A_684, %get3A_685, %get3A_686] {strides = array<i32>} : memref<4x104x128xf32, #tpu.memory_space<vmem>>, vector<1x1x16xf32>,
        %get3A_688 = vector.shape_cast %get3A_687 : vector<1x1x16xf32> to vector<16xf32>
        %add3A_689 = arith.addf %scan3A_654, %get3A_688 : vector<16xf32>
        scf.yield %add3A_662, %add3A_671, %add3A_680, %add3A_689 : vector<16xf32>, vector<16xf32>, vector<16xf32>, vector<16xf32>
      }
      %scan3A_452 = arith.constant 50 : i32
      %mul3A_453 = arith.constant 2.000000e-02 : f32
      %mul3A_454 = vector.broadcast %mul3A_453 : f32 to vector<16xf32>
      %mul3A_455 = arith.mulf %scan3A_451#0, %mul3A_454 : vector<16xf32>
      %swap3A_456 = arith.constant 5 : i32
      %swap3A_457 = arith.index_cast %rem3A_107 : i32 to index
      %swap3A_458 = arith.index_cast %swap3A_456 : i32 to index
      %swap3A_459 = arith.constant 0 : index
      %swap3A_460 = tpu.vector_load %arg7[%swap3A_457, %swap3A_458, %swap3A_459] {strides = array<i32>} : memref<2x8x64xf32, #tpu.memory_space<vmem>>, vector<1x1x16xf32>,
      %swap3A_461 = vector.shape_cast %swap3A_460 : vector<1x1x16xf32> to vector<16xf32>
      %swap3A_462 = vector.shape_cast %mul3A_455 : vector<16xf32> to vector<1x1x16xf32>
      tpu.vector_store %arg7[%swap3A_457, %swap3A_458, %swap3A_459], %swap3A_462 {strides = array<i32>} : memref<2x8x64xf32, #tpu.memory_space<vmem>>, vector<1x1x16xf32>,
      %mul3A_463 = arith.constant 2.000000e-02 : f32
      %mul3A_464 = vector.broadcast %mul3A_463 : f32 to vector<16xf32>
      %mul3A_465 = arith.mulf %scan3A_451#1, %mul3A_464 : vector<16xf32>
      %swap3A_466 = arith.constant 5 : i32
      %swap3A_467 = arith.index_cast %rem3A_107 : i32 to index
      %swap3A_468 = arith.index_cast %swap3A_466 : i32 to index
      %swap3A_469 = arith.constant 16 : index
      %swap3A_470 = tpu.vector_load %arg7[%swap3A_467, %swap3A_468, %swap3A_469] {strides = array<i32>} : memref<2x8x64xf32, #tpu.memory_space<vmem>>, vector<1x1x16xf32>,
      %swap3A_471 = vector.shape_cast %swap3A_470 : vector<1x1x16xf32> to vector<16xf32>
      %swap3A_472 = vector.shape_cast %mul3A_465 : vector<16xf32> to vector<1x1x16xf32>
      tpu.vector_store %arg7[%swap3A_467, %swap3A_468, %swap3A_469], %swap3A_472 {strides = array<i32>} : memref<2x8x64xf32, #tpu.memory_space<vmem>>, vector<1x1x16xf32>,
      %mul3A_473 = arith.constant 2.000000e-02 : f32
      %mul3A_474 = vector.broadcast %mul3A_473 : f32 to vector<16xf32>
      %mul3A_475 = arith.mulf %scan3A_451#2, %mul3A_474 : vector<16xf32>
      %swap3A_476 = arith.constant 5 : i32
      %swap3A_477 = arith.index_cast %rem3A_107 : i32 to index
      %swap3A_478 = arith.index_cast %swap3A_476 : i32 to index
      %swap3A_479 = arith.constant 32 : index
      %swap3A_480 = tpu.vector_load %arg7[%swap3A_477, %swap3A_478, %swap3A_479] {strides = array<i32>} : memref<2x8x64xf32, #tpu.memory_space<vmem>>, vector<1x1x16xf32>,
      %swap3A_481 = vector.shape_cast %swap3A_480 : vector<1x1x16xf32> to vector<16xf32>
      %swap3A_482 = vector.shape_cast %mul3A_475 : vector<16xf32> to vector<1x1x16xf32>
      tpu.vector_store %arg7[%swap3A_477, %swap3A_478, %swap3A_479], %swap3A_482 {strides = array<i32>} : memref<2x8x64xf32, #tpu.memory_space<vmem>>, vector<1x1x16xf32>,
      %mul3A_483 = arith.constant 2.000000e-02 : f32
      %mul3A_484 = vector.broadcast %mul3A_483 : f32 to vector<16xf32>
      %mul3A_485 = arith.mulf %scan3A_451#3, %mul3A_484 : vector<16xf32>
      %swap3A_486 = arith.constant 5 : i32
      %swap3A_487 = arith.index_cast %rem3A_107 : i32 to index
      %swap3A_488 = arith.index_cast %swap3A_486 : i32 to index
      %swap3A_489 = arith.constant 48 : index
      %swap3A_490 = tpu.vector_load %arg7[%swap3A_487, %swap3A_488, %swap3A_489] {strides = array<i32>} : memref<2x8x64xf32, #tpu.memory_space<vmem>>, vector<1x1x16xf32>,
      %swap3A_491 = vector.shape_cast %swap3A_490 : vector<1x1x16xf32> to vector<16xf32>
      %swap3A_492 = vector.shape_cast %mul3A_485 : vector<16xf32> to vector<1x1x16xf32>
      tpu.vector_store %arg7[%swap3A_487, %swap3A_488, %swap3A_489], %swap3A_492 {strides = array<i32>} : memref<2x8x64xf32, #tpu.memory_space<vmem>>, vector<1x1x16xf32>,
      %add3A_493 = arith.constant 4 : i32
      %add3A_494 = arith.addi %add3A_370, %add3A_493 : i32
      %lt3A_495 = arith.constant 256 : i32
      %lt3A_496 = arith.cmpi slt, %add3A_494, %lt3A_495 : i32
      %convert_element_type3A_497 = arith.extui %lt3A_496 : i1 to i32
      %cond3A_498 = arith.constant 0 : i32
      %cond3A_499 = arith.cmpi ne, %convert_element_type3A_497, %cond3A_498 : i32
      scf.if %cond3A_499 {
        %add3A_650 = arith.constant 4 : i32
        %add3A_651 = arith.addi %add3A_370, %add3A_650 : i32
        %dma_start3A_652 = arith.constant 2 : i32
        %dma_start3A_653 = arith.constant 2 : i32
        %dma_start3A_654 = arith.constant 0 : i32
        %dma_start3A_655 = arith.constant 0 : i32
        %dma_start3A_656 = tpu.memref_slice %arg6[%dma_start3A_652, %dma_start3A_654, %dma_start3A_655] : memref<4x104x128xf32, #tpu.memory_space<vmem>> -> memref<1x104x128xf32, #tpu.memory_space<vmem>>
        %dma_start3A_657 = tpu.memref_squeeze %dma_start3A_656 : memref<1x104x128xf32, #tpu.memory_space<vmem>> -> memref<104x128xf32, #tpu.memory_space<vmem>>
        %dma_start3A_658 = arith.constant 0 : i32
        %dma_start3A_659 = tpu.memref_slice %arg5[%add3A_651, %dma_start3A_658] : memref<256x104xi32, #tpu.memory_space<vmem>> -> memref<1x104xi32, #tpu.memory_space<vmem>>
        %dma_start3A_660 = tpu.memref_squeeze %dma_start3A_659 : memref<1x104xi32, #tpu.memory_space<vmem>> -> memref<104xi32, #tpu.memory_space<vmem>>
        %dma_start3A_661 = arith.constant 0 : i32
        %dma_start3A_662 = arith.constant 0 : i32
        %dma_start3A_663 = tpu.memref_slice %arg3[%dma_start3A_661, %dma_start3A_662] : memref<1003520x128xf32, #tpu.memory_space<hbm>> -> memref<1003520x128xf32, #tpu.memory_space<hbm>>
        %dma_start3A_664 = tpu.memref_slice %arg8[%dma_start3A_653] : memref<4x!tpu.dma_semaphore, #tpu.memory_space<semaphore_mem>> -> memref<1x!tpu.dma_semaphore, #tpu.memory_space<semaphore_mem>>
        %dma_start3A_665 = tpu.memref_squeeze %dma_start3A_664 : memref<1x!tpu.dma_semaphore, #tpu.memory_space<semaphore_mem>> -> memref<!tpu.dma_semaphore, #tpu.memory_space<semaphore_mem>>
        tpu.enqueue_indirect_dma source(%dma_start3A_663 : memref<1003520x128xf32, #tpu.memory_space<hbm>>) target(%dma_start3A_657 : memref<104x128xf32, #tpu.memory_space<vmem>>) offsets(%dma_start3A_660 : memref<104xi32, #tpu.memory_space<vmem>>) semaphore(%dma_start3A_665 : memref<!tpu.dma_semaphore, #tpu.memory_space<semaphore_mem>>)
      } else {
      }
      %add3A_500 = arith.constant 3 : i32
      %add3A_501 = arith.addi %mul3A_106, %add3A_500 : i32
      %dma_wait3A_502 = arith.constant 3 : i32
      %dma_wait3A_503 = arith.constant 3 : i32
      %dma_wait3A_504 = arith.constant 0 : i32
      %dma_wait3A_505 = arith.constant 0 : i32
      %dma_wait3A_506 = tpu.memref_slice %arg6[%dma_wait3A_502, %dma_wait3A_504, %dma_wait3A_505] : memref<4x104x128xf32, #tpu.memory_space<vmem>> -> memref<1x104x128xf32, #tpu.memory_space<vmem>>
      %dma_wait3A_507 = tpu.memref_squeeze %dma_wait3A_506 : memref<1x104x128xf32, #tpu.memory_space<vmem>> -> memref<104x128xf32, #tpu.memory_space<vmem>>
      %dma_wait3A_508 = arith.constant 0 : i32
      %dma_wait3A_509 = tpu.memref_slice %arg5[%add3A_501, %dma_wait3A_508] : memref<256x104xi32, #tpu.memory_space<vmem>> -> memref<1x104xi32, #tpu.memory_space<vmem>>
      %dma_wait3A_510 = tpu.memref_squeeze %dma_wait3A_509 : memref<1x104xi32, #tpu.memory_space<vmem>> -> memref<104xi32, #tpu.memory_space<vmem>>
      %dma_wait3A_511 = arith.constant 0 : i32
      %dma_wait3A_512 = arith.constant 0 : i32
      %dma_wait3A_513 = tpu.memref_slice %arg3[%dma_wait3A_511, %dma_wait3A_512] : memref<1003520x128xf32, #tpu.memory_space<hbm>> -> memref<1003520x128xf32, #tpu.memory_space<hbm>>
      %dma_wait3A_514 = tpu.memref_slice %arg8[%dma_wait3A_503] : memref<4x!tpu.dma_semaphore, #tpu.memory_space<semaphore_mem>> -> memref<1x!tpu.dma_semaphore, #tpu.memory_space<semaphore_mem>>
      %dma_wait3A_515 = tpu.memref_squeeze %dma_wait3A_514 : memref<1x!tpu.dma_semaphore, #tpu.memory_space<semaphore_mem>> -> memref<!tpu.dma_semaphore, #tpu.memory_space<semaphore_mem>>
      tpu.wait_indirect_dma semaphore(%dma_wait3A_515 : memref<!tpu.dma_semaphore, #tpu.memory_space<semaphore_mem>>) src(%dma_wait3A_513 : memref<1003520x128xf32, #tpu.memory_space<hbm>>) dst(%dma_wait3A_507 : memref<104x128xf32, #tpu.memory_space<vmem>>)
      %broadcast_in_dim3A_516 = arith.constant 0.000000e+00 : f32
      %broadcast_in_dim3A_517 = vector.broadcast %broadcast_in_dim3A_516 : f32 to vector<16xf32>
      %broadcast_in_dim3A_518 = arith.constant 0.000000e+00 : f32
      %broadcast_in_dim3A_519 = vector.broadcast %broadcast_in_dim3A_518 : f32 to vector<16xf32>
      %broadcast_in_dim3A_520 = arith.constant 0.000000e+00 : f32
      %broadcast_in_dim3A_521 = vector.broadcast %broadcast_in_dim3A_520 : f32 to vector<16xf32>
      %broadcast_in_dim3A_522 = arith.constant 0.000000e+00 : f32
      %broadcast_in_dim3A_523 = vector.broadcast %broadcast_in_dim3A_522 : f32 to vector<16xf32>
      %scan3A_524 = arith.constant 0 : i32
      %scan3A_525 = arith.constant 50 : i32
      %scan3A_526 = arith.addi %scan3A_524, %scan3A_525 : i32
      %scan3A_527 = arith.constant 1 : i32
      %scan3A_528:4 = scf.for %scan3A_650 = %scan3A_524 to %scan3A_526 step %scan3A_527 iter_args(%scan3A_651 = %broadcast_in_dim3A_517, %scan3A_652 = %broadcast_in_dim3A_519, %scan3A_653 = %broadcast_in_dim3A_521, %scan3A_654 = %broadcast_in_dim3A_523) -> (vector<16xf32>, vector<16xf32>, vector<16xf32>, vector<16xf32>)  : i32 {
        %add3A_655 = arith.constant 0 : i32
        %add3A_656 = arith.addi %add3A_655, %scan3A_650 : i32
        %get3A = arith.constant 3 : i32
        %get3A_657 = arith.index_cast %get3A : i32 to index
        %get3A_658 = arith.index_cast %add3A_656 : i32 to index
        %get3A_659 = arith.constant 0 : index
        %get3A_660 = tpu.vector_load %arg6[%get3A_657, %get3A_658, %get3A_659] {strides = array<i32>} : memref<4x104x128xf32, #tpu.memory_space<vmem>>, vector<1x1x16xf32>,
        %get3A_661 = vector.shape_cast %get3A_660 : vector<1x1x16xf32> to vector<16xf32>
        %add3A_662 = arith.addf %scan3A_651, %get3A_661 : vector<16xf32>
        %add3A_663 = arith.constant 0 : i32
        %add3A_664 = arith.addi %add3A_663, %scan3A_650 : i32
        %get3A_665 = arith.constant 3 : i32
        %get3A_666 = arith.index_cast %get3A_665 : i32 to index
        %get3A_667 = arith.index_cast %add3A_664 : i32 to index
        %get3A_668 = arith.constant 16 : index
        %get3A_669 = tpu.vector_load %arg6[%get3A_666, %get3A_667, %get3A_668] {strides = array<i32>} : memref<4x104x128xf32, #tpu.memory_space<vmem>>, vector<1x1x16xf32>,
        %get3A_670 = vector.shape_cast %get3A_669 : vector<1x1x16xf32> to vector<16xf32>
        %add3A_671 = arith.addf %scan3A_652, %get3A_670 : vector<16xf32>
        %add3A_672 = arith.constant 0 : i32
        %add3A_673 = arith.addi %add3A_672, %scan3A_650 : i32
        %get3A_674 = arith.constant 3 : i32
        %get3A_675 = arith.index_cast %get3A_674 : i32 to index
        %get3A_676 = arith.index_cast %add3A_673 : i32 to index
        %get3A_677 = arith.constant 32 : index
        %get3A_678 = tpu.vector_load %arg6[%get3A_675, %get3A_676, %get3A_677] {strides = array<i32>} : memref<4x104x128xf32, #tpu.memory_space<vmem>>, vector<1x1x16xf32>,
        %get3A_679 = vector.shape_cast %get3A_678 : vector<1x1x16xf32> to vector<16xf32>
        %add3A_680 = arith.addf %scan3A_653, %get3A_679 : vector<16xf32>
        %add3A_681 = arith.constant 0 : i32
        %add3A_682 = arith.addi %add3A_681, %scan3A_650 : i32
        %get3A_683 = arith.constant 3 : i32
        %get3A_684 = arith.index_cast %get3A_683 : i32 to index
        %get3A_685 = arith.index_cast %add3A_682 : i32 to index
        %get3A_686 = arith.constant 48 : index
        %get3A_687 = tpu.vector_load %arg6[%get3A_684, %get3A_685, %get3A_686] {strides = array<i32>} : memref<4x104x128xf32, #tpu.memory_space<vmem>>, vector<1x1x16xf32>,
        %get3A_688 = vector.shape_cast %get3A_687 : vector<1x1x16xf32> to vector<16xf32>
        %add3A_689 = arith.addf %scan3A_654, %get3A_688 : vector<16xf32>
        scf.yield %add3A_662, %add3A_671, %add3A_680, %add3A_689 : vector<16xf32>, vector<16xf32>, vector<16xf32>, vector<16xf32>
      }
      %scan3A_529 = arith.constant 50 : i32
      %mul3A_530 = arith.constant 2.000000e-02 : f32
      %mul3A_531 = vector.broadcast %mul3A_530 : f32 to vector<16xf32>
      %mul3A_532 = arith.mulf %scan3A_528#0, %mul3A_531 : vector<16xf32>
      %swap3A_533 = arith.constant 6 : i32
      %swap3A_534 = arith.index_cast %rem3A_107 : i32 to index
      %swap3A_535 = arith.index_cast %swap3A_533 : i32 to index
      %swap3A_536 = arith.constant 0 : index
      %swap3A_537 = tpu.vector_load %arg7[%swap3A_534, %swap3A_535, %swap3A_536] {strides = array<i32>} : memref<2x8x64xf32, #tpu.memory_space<vmem>>, vector<1x1x16xf32>,
      %swap3A_538 = vector.shape_cast %swap3A_537 : vector<1x1x16xf32> to vector<16xf32>
      %swap3A_539 = vector.shape_cast %mul3A_532 : vector<16xf32> to vector<1x1x16xf32>
      tpu.vector_store %arg7[%swap3A_534, %swap3A_535, %swap3A_536], %swap3A_539 {strides = array<i32>} : memref<2x8x64xf32, #tpu.memory_space<vmem>>, vector<1x1x16xf32>,
      %mul3A_540 = arith.constant 2.000000e-02 : f32
      %mul3A_541 = vector.broadcast %mul3A_540 : f32 to vector<16xf32>
      %mul3A_542 = arith.mulf %scan3A_528#1, %mul3A_541 : vector<16xf32>
      %swap3A_543 = arith.constant 6 : i32
      %swap3A_544 = arith.index_cast %rem3A_107 : i32 to index
      %swap3A_545 = arith.index_cast %swap3A_543 : i32 to index
      %swap3A_546 = arith.constant 16 : index
      %swap3A_547 = tpu.vector_load %arg7[%swap3A_544, %swap3A_545, %swap3A_546] {strides = array<i32>} : memref<2x8x64xf32, #tpu.memory_space<vmem>>, vector<1x1x16xf32>,
      %swap3A_548 = vector.shape_cast %swap3A_547 : vector<1x1x16xf32> to vector<16xf32>
      %swap3A_549 = vector.shape_cast %mul3A_542 : vector<16xf32> to vector<1x1x16xf32>
      tpu.vector_store %arg7[%swap3A_544, %swap3A_545, %swap3A_546], %swap3A_549 {strides = array<i32>} : memref<2x8x64xf32, #tpu.memory_space<vmem>>, vector<1x1x16xf32>,
      %mul3A_550 = arith.constant 2.000000e-02 : f32
      %mul3A_551 = vector.broadcast %mul3A_550 : f32 to vector<16xf32>
      %mul3A_552 = arith.mulf %scan3A_528#2, %mul3A_551 : vector<16xf32>
      %swap3A_553 = arith.constant 6 : i32
      %swap3A_554 = arith.index_cast %rem3A_107 : i32 to index
      %swap3A_555 = arith.index_cast %swap3A_553 : i32 to index
      %swap3A_556 = arith.constant 32 : index
      %swap3A_557 = tpu.vector_load %arg7[%swap3A_554, %swap3A_555, %swap3A_556] {strides = array<i32>} : memref<2x8x64xf32, #tpu.memory_space<vmem>>, vector<1x1x16xf32>,
      %swap3A_558 = vector.shape_cast %swap3A_557 : vector<1x1x16xf32> to vector<16xf32>
      %swap3A_559 = vector.shape_cast %mul3A_552 : vector<16xf32> to vector<1x1x16xf32>
      tpu.vector_store %arg7[%swap3A_554, %swap3A_555, %swap3A_556], %swap3A_559 {strides = array<i32>} : memref<2x8x64xf32, #tpu.memory_space<vmem>>, vector<1x1x16xf32>,
      %mul3A_560 = arith.constant 2.000000e-02 : f32
      %mul3A_561 = vector.broadcast %mul3A_560 : f32 to vector<16xf32>
      %mul3A_562 = arith.mulf %scan3A_528#3, %mul3A_561 : vector<16xf32>
      %swap3A_563 = arith.constant 6 : i32
      %swap3A_564 = arith.index_cast %rem3A_107 : i32 to index
      %swap3A_565 = arith.index_cast %swap3A_563 : i32 to index
      %swap3A_566 = arith.constant 48 : index
      %swap3A_567 = tpu.vector_load %arg7[%swap3A_564, %swap3A_565, %swap3A_566] {strides = array<i32>} : memref<2x8x64xf32, #tpu.memory_space<vmem>>, vector<1x1x16xf32>,
      %swap3A_568 = vector.shape_cast %swap3A_567 : vector<1x1x16xf32> to vector<16xf32>
      %swap3A_569 = vector.shape_cast %mul3A_562 : vector<16xf32> to vector<1x1x16xf32>
      tpu.vector_store %arg7[%swap3A_564, %swap3A_565, %swap3A_566], %swap3A_569 {strides = array<i32>} : memref<2x8x64xf32, #tpu.memory_space<vmem>>, vector<1x1x16xf32>,
      %broadcast_in_dim3A_570 = arith.constant 0.000000e+00 : f32
      %broadcast_in_dim3A_571 = vector.broadcast %broadcast_in_dim3A_570 : f32 to vector<16xf32>
      %broadcast_in_dim3A_572 = arith.constant 0.000000e+00 : f32
      %broadcast_in_dim3A_573 = vector.broadcast %broadcast_in_dim3A_572 : f32 to vector<16xf32>
      %broadcast_in_dim3A_574 = arith.constant 0.000000e+00 : f32
      %broadcast_in_dim3A_575 = vector.broadcast %broadcast_in_dim3A_574 : f32 to vector<16xf32>
      %broadcast_in_dim3A_576 = arith.constant 0.000000e+00 : f32
      %broadcast_in_dim3A_577 = vector.broadcast %broadcast_in_dim3A_576 : f32 to vector<16xf32>
      %scan3A_578 = arith.constant 0 : i32
      %scan3A_579 = arith.constant 50 : i32
      %scan3A_580 = arith.addi %scan3A_578, %scan3A_579 : i32
      %scan3A_581 = arith.constant 1 : i32
      %scan3A_582:4 = scf.for %scan3A_650 = %scan3A_578 to %scan3A_580 step %scan3A_581 iter_args(%scan3A_651 = %broadcast_in_dim3A_571, %scan3A_652 = %broadcast_in_dim3A_573, %scan3A_653 = %broadcast_in_dim3A_575, %scan3A_654 = %broadcast_in_dim3A_577) -> (vector<16xf32>, vector<16xf32>, vector<16xf32>, vector<16xf32>)  : i32 {
        %add3A_655 = arith.constant 50 : i32
        %add3A_656 = arith.addi %add3A_655, %scan3A_650 : i32
        %get3A = arith.constant 3 : i32
        %get3A_657 = arith.index_cast %get3A : i32 to index
        %get3A_658 = arith.index_cast %add3A_656 : i32 to index
        %get3A_659 = arith.constant 0 : index
        %get3A_660 = tpu.vector_load %arg6[%get3A_657, %get3A_658, %get3A_659] {strides = array<i32>} : memref<4x104x128xf32, #tpu.memory_space<vmem>>, vector<1x1x16xf32>,
        %get3A_661 = vector.shape_cast %get3A_660 : vector<1x1x16xf32> to vector<16xf32>
        %add3A_662 = arith.addf %scan3A_651, %get3A_661 : vector<16xf32>
        %add3A_663 = arith.constant 50 : i32
        %add3A_664 = arith.addi %add3A_663, %scan3A_650 : i32
        %get3A_665 = arith.constant 3 : i32
        %get3A_666 = arith.index_cast %get3A_665 : i32 to index
        %get3A_667 = arith.index_cast %add3A_664 : i32 to index
        %get3A_668 = arith.constant 16 : index
        %get3A_669 = tpu.vector_load %arg6[%get3A_666, %get3A_667, %get3A_668] {strides = array<i32>} : memref<4x104x128xf32, #tpu.memory_space<vmem>>, vector<1x1x16xf32>,
        %get3A_670 = vector.shape_cast %get3A_669 : vector<1x1x16xf32> to vector<16xf32>
        %add3A_671 = arith.addf %scan3A_652, %get3A_670 : vector<16xf32>
        %add3A_672 = arith.constant 50 : i32
        %add3A_673 = arith.addi %add3A_672, %scan3A_650 : i32
        %get3A_674 = arith.constant 3 : i32
        %get3A_675 = arith.index_cast %get3A_674 : i32 to index
        %get3A_676 = arith.index_cast %add3A_673 : i32 to index
        %get3A_677 = arith.constant 32 : index
        %get3A_678 = tpu.vector_load %arg6[%get3A_675, %get3A_676, %get3A_677] {strides = array<i32>} : memref<4x104x128xf32, #tpu.memory_space<vmem>>, vector<1x1x16xf32>,
        %get3A_679 = vector.shape_cast %get3A_678 : vector<1x1x16xf32> to vector<16xf32>
        %add3A_680 = arith.addf %scan3A_653, %get3A_679 : vector<16xf32>
        %add3A_681 = arith.constant 50 : i32
        %add3A_682 = arith.addi %add3A_681, %scan3A_650 : i32
        %get3A_683 = arith.constant 3 : i32
        %get3A_684 = arith.index_cast %get3A_683 : i32 to index
        %get3A_685 = arith.index_cast %add3A_682 : i32 to index
        %get3A_686 = arith.constant 48 : index
        %get3A_687 = tpu.vector_load %arg6[%get3A_684, %get3A_685, %get3A_686] {strides = array<i32>} : memref<4x104x128xf32, #tpu.memory_space<vmem>>, vector<1x1x16xf32>,
        %get3A_688 = vector.shape_cast %get3A_687 : vector<1x1x16xf32> to vector<16xf32>
        %add3A_689 = arith.addf %scan3A_654, %get3A_688 : vector<16xf32>
        scf.yield %add3A_662, %add3A_671, %add3A_680, %add3A_689 : vector<16xf32>, vector<16xf32>, vector<16xf32>, vector<16xf32>
      }
      %scan3A_583 = arith.constant 50 : i32
      %mul3A_584 = arith.constant 2.000000e-02 : f32
      %mul3A_585 = vector.broadcast %mul3A_584 : f32 to vector<16xf32>
      %mul3A_586 = arith.mulf %scan3A_582#0, %mul3A_585 : vector<16xf32>
      %swap3A_587 = arith.constant 7 : i32
      %swap3A_588 = arith.index_cast %rem3A_107 : i32 to index
      %swap3A_589 = arith.index_cast %swap3A_587 : i32 to index
      %swap3A_590 = arith.constant 0 : index
      %swap3A_591 = tpu.vector_load %arg7[%swap3A_588, %swap3A_589, %swap3A_590] {strides = array<i32>} : memref<2x8x64xf32, #tpu.memory_space<vmem>>, vector<1x1x16xf32>,
      %swap3A_592 = vector.shape_cast %swap3A_591 : vector<1x1x16xf32> to vector<16xf32>
      %swap3A_593 = vector.shape_cast %mul3A_586 : vector<16xf32> to vector<1x1x16xf32>
      tpu.vector_store %arg7[%swap3A_588, %swap3A_589, %swap3A_590], %swap3A_593 {strides = array<i32>} : memref<2x8x64xf32, #tpu.memory_space<vmem>>, vector<1x1x16xf32>,
      %mul3A_594 = arith.constant 2.000000e-02 : f32
      %mul3A_595 = vector.broadcast %mul3A_594 : f32 to vector<16xf32>
      %mul3A_596 = arith.mulf %scan3A_582#1, %mul3A_595 : vector<16xf32>
      %swap3A_597 = arith.constant 7 : i32
      %swap3A_598 = arith.index_cast %rem3A_107 : i32 to index
      %swap3A_599 = arith.index_cast %swap3A_597 : i32 to index
      %swap3A_600 = arith.constant 16 : index
      %swap3A_601 = tpu.vector_load %arg7[%swap3A_598, %swap3A_599, %swap3A_600] {strides = array<i32>} : memref<2x8x64xf32, #tpu.memory_space<vmem>>, vector<1x1x16xf32>,
      %swap3A_602 = vector.shape_cast %swap3A_601 : vector<1x1x16xf32> to vector<16xf32>
      %swap3A_603 = vector.shape_cast %mul3A_596 : vector<16xf32> to vector<1x1x16xf32>
      tpu.vector_store %arg7[%swap3A_598, %swap3A_599, %swap3A_600], %swap3A_603 {strides = array<i32>} : memref<2x8x64xf32, #tpu.memory_space<vmem>>, vector<1x1x16xf32>,
      %mul3A_604 = arith.constant 2.000000e-02 : f32
      %mul3A_605 = vector.broadcast %mul3A_604 : f32 to vector<16xf32>
      %mul3A_606 = arith.mulf %scan3A_582#2, %mul3A_605 : vector<16xf32>
      %swap3A_607 = arith.constant 7 : i32
      %swap3A_608 = arith.index_cast %rem3A_107 : i32 to index
      %swap3A_609 = arith.index_cast %swap3A_607 : i32 to index
      %swap3A_610 = arith.constant 32 : index
      %swap3A_611 = tpu.vector_load %arg7[%swap3A_608, %swap3A_609, %swap3A_610] {strides = array<i32>} : memref<2x8x64xf32, #tpu.memory_space<vmem>>, vector<1x1x16xf32>,
      %swap3A_612 = vector.shape_cast %swap3A_611 : vector<1x1x16xf32> to vector<16xf32>
      %swap3A_613 = vector.shape_cast %mul3A_606 : vector<16xf32> to vector<1x1x16xf32>
      tpu.vector_store %arg7[%swap3A_608, %swap3A_609, %swap3A_610], %swap3A_613 {strides = array<i32>} : memref<2x8x64xf32, #tpu.memory_space<vmem>>, vector<1x1x16xf32>,
      %mul3A_614 = arith.constant 2.000000e-02 : f32
      %mul3A_615 = vector.broadcast %mul3A_614 : f32 to vector<16xf32>
      %mul3A_616 = arith.mulf %scan3A_582#3, %mul3A_615 : vector<16xf32>
      %swap3A_617 = arith.constant 7 : i32
      %swap3A_618 = arith.index_cast %rem3A_107 : i32 to index
      %swap3A_619 = arith.index_cast %swap3A_617 : i32 to index
      %swap3A_620 = arith.constant 48 : index
      %swap3A_621 = tpu.vector_load %arg7[%swap3A_618, %swap3A_619, %swap3A_620] {strides = array<i32>} : memref<2x8x64xf32, #tpu.memory_space<vmem>>, vector<1x1x16xf32>,
      %swap3A_622 = vector.shape_cast %swap3A_621 : vector<1x1x16xf32> to vector<16xf32>
      %swap3A_623 = vector.shape_cast %mul3A_616 : vector<16xf32> to vector<1x1x16xf32>
      tpu.vector_store %arg7[%swap3A_618, %swap3A_619, %swap3A_620], %swap3A_623 {strides = array<i32>} : memref<2x8x64xf32, #tpu.memory_space<vmem>>, vector<1x1x16xf32>,
      %add3A_624 = arith.constant 4 : i32
      %add3A_625 = arith.addi %add3A_501, %add3A_624 : i32
      %lt3A_626 = arith.constant 256 : i32
      %lt3A_627 = arith.cmpi slt, %add3A_625, %lt3A_626 : i32
      %convert_element_type3A_628 = arith.extui %lt3A_627 : i1 to i32
      %cond3A_629 = arith.constant 0 : i32
      %cond3A_630 = arith.cmpi ne, %convert_element_type3A_628, %cond3A_629 : i32
      scf.if %cond3A_630 {
        %add3A_650 = arith.constant 4 : i32
        %add3A_651 = arith.addi %add3A_501, %add3A_650 : i32
        %dma_start3A_652 = arith.constant 3 : i32
        %dma_start3A_653 = arith.constant 3 : i32
        %dma_start3A_654 = arith.constant 0 : i32
        %dma_start3A_655 = arith.constant 0 : i32
        %dma_start3A_656 = tpu.memref_slice %arg6[%dma_start3A_652, %dma_start3A_654, %dma_start3A_655] : memref<4x104x128xf32, #tpu.memory_space<vmem>> -> memref<1x104x128xf32, #tpu.memory_space<vmem>>
        %dma_start3A_657 = tpu.memref_squeeze %dma_start3A_656 : memref<1x104x128xf32, #tpu.memory_space<vmem>> -> memref<104x128xf32, #tpu.memory_space<vmem>>
        %dma_start3A_658 = arith.constant 0 : i32
        %dma_start3A_659 = tpu.memref_slice %arg5[%add3A_651, %dma_start3A_658] : memref<256x104xi32, #tpu.memory_space<vmem>> -> memref<1x104xi32, #tpu.memory_space<vmem>>
        %dma_start3A_660 = tpu.memref_squeeze %dma_start3A_659 : memref<1x104xi32, #tpu.memory_space<vmem>> -> memref<104xi32, #tpu.memory_space<vmem>>
        %dma_start3A_661 = arith.constant 0 : i32
        %dma_start3A_662 = arith.constant 0 : i32
        %dma_start3A_663 = tpu.memref_slice %arg3[%dma_start3A_661, %dma_start3A_662] : memref<1003520x128xf32, #tpu.memory_space<hbm>> -> memref<1003520x128xf32, #tpu.memory_space<hbm>>
        %dma_start3A_664 = tpu.memref_slice %arg8[%dma_start3A_653] : memref<4x!tpu.dma_semaphore, #tpu.memory_space<semaphore_mem>> -> memref<1x!tpu.dma_semaphore, #tpu.memory_space<semaphore_mem>>
        %dma_start3A_665 = tpu.memref_squeeze %dma_start3A_664 : memref<1x!tpu.dma_semaphore, #tpu.memory_space<semaphore_mem>> -> memref<!tpu.dma_semaphore, #tpu.memory_space<semaphore_mem>>
        tpu.enqueue_indirect_dma source(%dma_start3A_663 : memref<1003520x128xf32, #tpu.memory_space<hbm>>) target(%dma_start3A_657 : memref<104x128xf32, #tpu.memory_space<vmem>>) offsets(%dma_start3A_660 : memref<104xi32, #tpu.memory_space<vmem>>) semaphore(%dma_start3A_665 : memref<!tpu.dma_semaphore, #tpu.memory_space<semaphore_mem>>)
      } else {
      }
      %mul3A_631 = arith.constant 512 : i32
      %mul3A_632 = arith.muli %add3A, %mul3A_631 : i32
      %mul3A_633 = arith.constant 8 : i32
      %mul3A_634 = arith.muli %scan3A_104, %mul3A_633 : i32
      %add3A_635 = arith.addi %mul3A_632, %mul3A_634 : i32
      %dma_start3A_636 = arith.constant 0 : i32
      %dma_start3A_637 = arith.constant 0 : i32
      %dma_start3A_638 = tpu.memref_slice %arg7[%rem3A_107, %dma_start3A_636, %dma_start3A_637] : memref<2x8x64xf32, #tpu.memory_space<vmem>> -> memref<1x8x64xf32, #tpu.memory_space<vmem>>
      %dma_start3A_639 = tpu.memref_squeeze %dma_start3A_638 : memref<1x8x64xf32, #tpu.memory_space<vmem>> -> memref<8x64xf32, #tpu.memory_space<vmem>>
      %dma_start3A_640 = arith.constant 0 : i32
      %dma_start3A_641 = tpu.memref_slice %arg4[%add3A_635, %dma_start3A_640] : memref<16384x64xf32, #tpu.memory_space<hbm>> -> memref<8x64xf32, #tpu.memory_space<hbm>>
      %dma_start3A_642 = tpu.memref_slice %arg9[%rem3A_107] : memref<2x!tpu.dma_semaphore, #tpu.memory_space<semaphore_mem>> -> memref<1x!tpu.dma_semaphore, #tpu.memory_space<semaphore_mem>>
      %dma_start3A_643 = tpu.memref_squeeze %dma_start3A_642 : memref<1x!tpu.dma_semaphore, #tpu.memory_space<semaphore_mem>> -> memref<!tpu.dma_semaphore, #tpu.memory_space<semaphore_mem>>
      %dma_start3A_644 = arith.constant 0 : i32
      %dma_start3A_645 = tpu.memref_slice %arg4[%add3A_635, %dma_start3A_644] : memref<16384x64xf32, #tpu.memory_space<hbm>> -> memref<8x64xf32, #tpu.memory_space<hbm>>
      %dma_start3A_646 = arith.constant 0 : i32
      %dma_start3A_647 = arith.constant 0 : i32
      %dma_start3A_648 = tpu.memref_slice %arg7[%rem3A_107, %dma_start3A_646, %dma_start3A_647] : memref<2x8x64xf32, #tpu.memory_space<vmem>> -> memref<1x8x64xf32, #tpu.memory_space<vmem>>
      %dma_start3A_649 = tpu.memref_squeeze %dma_start3A_648 : memref<1x8x64xf32, #tpu.memory_space<vmem>> -> memref<8x64xf32, #tpu.memory_space<vmem>>
      tpu.enqueue_dma source(%dma_start3A_649 : memref<8x64xf32, #tpu.memory_space<vmem>>) target(%dma_start3A_645 : memref<8x64xf32, #tpu.memory_space<hbm>>) target_semaphore(%dma_start3A_643 : memref<!tpu.dma_semaphore, #tpu.memory_space<semaphore_mem>>)
    }
    %scan3A_64 = arith.constant 64 : i32
    %mul3A_65 = arith.constant 512 : i32
    %mul3A_66 = arith.muli %add3A, %mul3A_65 : i32
    %add3A_67 = arith.constant 0 : i32
    %add3A_68 = arith.addi %mul3A_66, %add3A_67 : i32
    %dma_wait3A = arith.constant 0 : i32
    %dma_wait3A_69 = arith.constant 0 : i32
    %dma_wait3A_70 = arith.constant 0 : i32
    %dma_wait3A_71 = arith.constant 0 : i32
    %dma_wait3A_72 = tpu.memref_slice %arg7[%dma_wait3A, %dma_wait3A_70, %dma_wait3A_71] : memref<2x8x64xf32, #tpu.memory_space<vmem>> -> memref<1x8x64xf32, #tpu.memory_space<vmem>>
    %dma_wait3A_73 = tpu.memref_squeeze %dma_wait3A_72 : memref<1x8x64xf32, #tpu.memory_space<vmem>> -> memref<8x64xf32, #tpu.memory_space<vmem>>
    %dma_wait3A_74 = arith.constant 0 : i32
    %dma_wait3A_75 = tpu.memref_slice %arg4[%add3A_68, %dma_wait3A_74] : memref<16384x64xf32, #tpu.memory_space<hbm>> -> memref<8x64xf32, #tpu.memory_space<hbm>>
    %dma_wait3A_76 = tpu.memref_slice %arg9[%dma_wait3A_69] : memref<2x!tpu.dma_semaphore, #tpu.memory_space<semaphore_mem>> -> memref<1x!tpu.dma_semaphore, #tpu.memory_space<semaphore_mem>>
    %dma_wait3A_77 = tpu.memref_squeeze %dma_wait3A_76 : memref<1x!tpu.dma_semaphore, #tpu.memory_space<semaphore_mem>> -> memref<!tpu.dma_semaphore, #tpu.memory_space<semaphore_mem>>
    %dma_wait3A_78 = arith.constant 0 : i32
    %dma_wait3A_79 = tpu.memref_slice %arg4[%add3A_68, %dma_wait3A_78] : memref<16384x64xf32, #tpu.memory_space<hbm>> -> memref<8x64xf32, #tpu.memory_space<hbm>>
    %dma_wait3A_80 = arith.constant 0 : i32
    %dma_wait3A_81 = arith.constant 0 : i32
    %dma_wait3A_82 = tpu.memref_slice %arg7[%dma_wait3A, %dma_wait3A_80, %dma_wait3A_81] : memref<2x8x64xf32, #tpu.memory_space<vmem>> -> memref<1x8x64xf32, #tpu.memory_space<vmem>>
    %dma_wait3A_83 = tpu.memref_squeeze %dma_wait3A_82 : memref<1x8x64xf32, #tpu.memory_space<vmem>> -> memref<8x64xf32, #tpu.memory_space<vmem>>
    tpu.wait_dma2 semaphore(%dma_wait3A_77 : memref<!tpu.dma_semaphore, #tpu.memory_space<semaphore_mem>>) src(%dma_wait3A_83 : memref<8x64xf32, #tpu.memory_space<vmem>>) dst(%dma_wait3A_79 : memref<8x64xf32, #tpu.memory_space<hbm>>)
    %mul3A_84 = arith.constant 512 : i32
    %mul3A_85 = arith.muli %add3A, %mul3A_84 : i32
    %add3A_86 = arith.constant 0 : i32
    %add3A_87 = arith.addi %mul3A_85, %add3A_86 : i32
    %dma_wait3A_88 = arith.constant 1 : i32
    %dma_wait3A_89 = arith.constant 1 : i32
    %dma_wait3A_90 = arith.constant 0 : i32
    %dma_wait3A_91 = arith.constant 0 : i32
    %dma_wait3A_92 = tpu.memref_slice %arg7[%dma_wait3A_88, %dma_wait3A_90, %dma_wait3A_91] : memref<2x8x64xf32, #tpu.memory_space<vmem>> -> memref<1x8x64xf32, #tpu.memory_space<vmem>>
    %dma_wait3A_93 = tpu.memref_squeeze %dma_wait3A_92 : memref<1x8x64xf32, #tpu.memory_space<vmem>> -> memref<8x64xf32, #tpu.memory_space<vmem>>
    %dma_wait3A_94 = arith.constant 0 : i32
    %dma_wait3A_95 = tpu.memref_slice %arg4[%add3A_87, %dma_wait3A_94] : memref<16384x64xf32, #tpu.memory_space<hbm>> -> memref<8x64xf32, #tpu.memory_space<hbm>>
    %dma_wait3A_96 = tpu.memref_slice %arg9[%dma_wait3A_89] : memref<2x!tpu.dma_semaphore, #tpu.memory_space<semaphore_mem>> -> memref<1x!tpu.dma_semaphore, #tpu.memory_space<semaphore_mem>>
    %dma_wait3A_97 = tpu.memref_squeeze %dma_wait3A_96 : memref<1x!tpu.dma_semaphore, #tpu.memory_space<semaphore_mem>> -> memref<!tpu.dma_semaphore, #tpu.memory_space<semaphore_mem>>
    %dma_wait3A_98 = arith.constant 0 : i32
    %dma_wait3A_99 = tpu.memref_slice %arg4[%add3A_87, %dma_wait3A_98] : memref<16384x64xf32, #tpu.memory_space<hbm>> -> memref<8x64xf32, #tpu.memory_space<hbm>>
    %dma_wait3A_100 = arith.constant 0 : i32
    %dma_wait3A_101 = arith.constant 0 : i32
    %dma_wait3A_102 = tpu.memref_slice %arg7[%dma_wait3A_88, %dma_wait3A_100, %dma_wait3A_101] : memref<2x8x64xf32, #tpu.memory_space<vmem>> -> memref<1x8x64xf32, #tpu.memory_space<vmem>>
    %dma_wait3A_103 = tpu.memref_squeeze %dma_wait3A_102 : memref<1x8x64xf32, #tpu.memory_space<vmem>> -> memref<8x64xf32, #tpu.memory_space<vmem>>
    tpu.wait_dma2 semaphore(%dma_wait3A_97 : memref<!tpu.dma_semaphore, #tpu.memory_space<semaphore_mem>>) src(%dma_wait3A_103 : memref<8x64xf32, #tpu.memory_space<vmem>>) dst(%dma_wait3A_99 : memref<8x64xf32, #tpu.memory_space<hbm>>)
    return
  }
}

module attributes {stable_mosaic.version = 14 : i64} {
  func.func @_tpad_kernel(%arg0: i32, %arg1: memref<64x4096xf32, #tpu.memory_space<vmem>>, %arg2: memref<4096x128xf32, #tpu.memory_space<vmem>>) attributes {dimension_semantics = [#tpu.dimension_semantics<arbitrary>], iteration_bounds = array<i64: 245>, scalar_prefetch = 0 : i64, scratch_operands = 0 : i64, tpu.core_type = #tpu.core_type<tc>, window_params = [{transform_indices = @transform_0, window_bounds = array<i64: 64, 4096>}, {transform_indices = @transform_1, window_bounds = array<i64: 4096, 128>}]} {
    %get3A = arith.constant 0 : index
    %get3A_0 = arith.constant 0 : index
    %get3A_1 = vector.load %arg1[%get3A, %get3A_0] : memref<64x4096xf32, #tpu.memory_space<vmem>>, vector<64x4096xf32>
    %transpose3A = tpu.transpose %get3A_1, [1, 0] : vector<64x4096xf32> -> vector<4096x64xf32>
    %broadcast_in_dim3A = arith.constant 0.000000e+00 : f32
    %broadcast_in_dim3A_2 = vector.broadcast %broadcast_in_dim3A : f32 to vector<4096x64xf32>
    %concatenate3A = tpu.concatenate %transpose3A, %broadcast_in_dim3A_2 in 1 : vector<4096x64xf32>, vector<4096x64xf32> -> vector<4096x128xf32>
    %swap3A = arith.constant 0 : index
    %swap3A_3 = arith.constant 0 : index
    %swap3A_4 = vector.load %arg2[%swap3A, %swap3A_3] : memref<4096x128xf32, #tpu.memory_space<vmem>>, vector<4096x128xf32>
    tpu.vector_store %arg2[%swap3A, %swap3A_3], %concatenate3A {strides = array<i32>} : memref<4096x128xf32, #tpu.memory_space<vmem>>, vector<4096x128xf32>,
    return
  }
  func.func @transform_0(%arg0: i32) -> (i32, i32) {
    %c0_i32 = arith.constant 0 : i32
    %c0_i32_0 = arith.constant 0 : i32
    return %c0_i32, %arg0 : i32, i32
  }
  func.func @transform_1(%arg0: i32) -> (i32, i32) {
    %c0_i32 = arith.constant 0 : i32
    %c0_i32_0 = arith.constant 0 : i32
    return %arg0, %c0_i32 : i32, i32
  }
}

module attributes {stable_mosaic.version = 14 : i64} {
  func.func @_mlp_kernel(%arg0: i32, %arg1: memref<1024x64xf32, #tpu.memory_space<vmem>>, %arg2: memref<64x512xf32, #tpu.memory_space<vmem>>, %arg3: memref<1x512xf32, #tpu.memory_space<vmem>>, %arg4: memref<512x512xf32, #tpu.memory_space<vmem>>, %arg5: memref<1x512xf32, #tpu.memory_space<vmem>>, %arg6: memref<512x512xf32, #tpu.memory_space<vmem>>, %arg7: memref<1x512xf32, #tpu.memory_space<vmem>>, %arg8: memref<512x128xf32, #tpu.memory_space<vmem>>, %arg9: memref<1x128xf32, #tpu.memory_space<vmem>>, %arg10: memref<1024x128xf32, #tpu.memory_space<vmem>>) attributes {dimension_semantics = [#tpu.dimension_semantics<arbitrary>], iteration_bounds = array<i64: 16>, scalar_prefetch = 0 : i64, scratch_operands = 0 : i64, tpu.core_type = #tpu.core_type<tc>, window_params = [{transform_indices = @transform_0, window_bounds = array<i64: 1024, 64>}, {pipeline_mode = #tpu.pipeline_mode<synchronous>, transform_indices = @transform_1, window_bounds = array<i64: 64, 512>}, {pipeline_mode = #tpu.pipeline_mode<synchronous>, transform_indices = @transform_2, window_bounds = array<i64: 1, 512>}, {pipeline_mode = #tpu.pipeline_mode<synchronous>, transform_indices = @transform_3, window_bounds = array<i64: 512, 512>}, {pipeline_mode = #tpu.pipeline_mode<synchronous>, transform_indices = @transform_4, window_bounds = array<i64: 1, 512>}, {pipeline_mode = #tpu.pipeline_mode<synchronous>, transform_indices = @transform_5, window_bounds = array<i64: 512, 512>}, {pipeline_mode = #tpu.pipeline_mode<synchronous>, transform_indices = @transform_6, window_bounds = array<i64: 1, 512>}, {pipeline_mode = #tpu.pipeline_mode<synchronous>, transform_indices = @transform_7, window_bounds = array<i64: 512, 128>}, {pipeline_mode = #tpu.pipeline_mode<synchronous>, transform_indices = @transform_8, window_bounds = array<i64: 1, 128>}, {transform_indices = @transform_9, window_bounds = array<i64: 1024, 128>}]} {
    %get3A = arith.constant 0 : index
    %get3A_0 = arith.constant 0 : index
    %get3A_1 = vector.load %arg1[%get3A, %get3A_0] : memref<1024x64xf32, #tpu.memory_space<vmem>>, vector<1024x64xf32>
    %get3A_2 = arith.constant 0 : index
    %get3A_3 = arith.constant 0 : index
    %get3A_4 = vector.load %arg2[%get3A_2, %get3A_3] : memref<64x512xf32, #tpu.memory_space<vmem>>, vector<64x512xf32>
    %dot_general3A = arith.constant dense<0.000000e+00> : vector<1024x512xf32>
    %dot_general3A_5 = tpu.matmul %get3A_1, %get3A_4, %dot_general3A {dimension_numbers = #tpu.dot_dimension_numbers<[1], [0], [0], [1], [0, 0, 1, 1], [], []>, transpose_lhs_hint = false} : vector<1024x64xf32>, vector<64x512xf32>, vector<1024x512xf32> -> vector<1024x512xf32>
    %get3A_6 = arith.constant 0 : index
    %get3A_7 = arith.constant 0 : index
    %get3A_8 = vector.load %arg3[%get3A_6, %get3A_7] : memref<1x512xf32, #tpu.memory_space<vmem>>, vector<1x512xf32>
    %add3A = vector.broadcast %get3A_8 : vector<1x512xf32> to vector<1024x512xf32>
    %add3A_9 = arith.addf %dot_general3A_5, %add3A : vector<1024x512xf32>
    %max3A = arith.constant 0.000000e+00 : f32
    %max3A_10 = vector.broadcast %max3A : f32 to vector<1024x512xf32>
    %max3A_11 = arith.maximumf %add3A_9, %max3A_10 : vector<1024x512xf32>
    %get3A_12 = arith.constant 0 : index
    %get3A_13 = arith.constant 0 : index
    %get3A_14 = vector.load %arg4[%get3A_12, %get3A_13] : memref<512x512xf32, #tpu.memory_space<vmem>>, vector<512x512xf32>
    %dot_general3A_15 = arith.constant dense<0.000000e+00> : vector<1024x512xf32>
    %dot_general3A_16 = tpu.matmul %max3A_11, %get3A_14, %dot_general3A_15 {dimension_numbers = #tpu.dot_dimension_numbers<[1], [0], [0], [1], [0, 0, 1, 1], [], []>, transpose_lhs_hint = false} : vector<1024x512xf32>, vector<512x512xf32>, vector<1024x512xf32> -> vector<1024x512xf32>
    %get3A_17 = arith.constant 0 : index
    %get3A_18 = arith.constant 0 : index
    %get3A_19 = vector.load %arg5[%get3A_17, %get3A_18] : memref<1x512xf32, #tpu.memory_space<vmem>>, vector<1x512xf32>
    %add3A_20 = vector.broadcast %get3A_19 : vector<1x512xf32> to vector<1024x512xf32>
    %add3A_21 = arith.addf %dot_general3A_16, %add3A_20 : vector<1024x512xf32>
    %max3A_22 = arith.constant 0.000000e+00 : f32
    %max3A_23 = vector.broadcast %max3A_22 : f32 to vector<1024x512xf32>
    %max3A_24 = arith.maximumf %add3A_21, %max3A_23 : vector<1024x512xf32>
    %get3A_25 = arith.constant 0 : index
    %get3A_26 = arith.constant 0 : index
    %get3A_27 = vector.load %arg6[%get3A_25, %get3A_26] : memref<512x512xf32, #tpu.memory_space<vmem>>, vector<512x512xf32>
    %dot_general3A_28 = arith.constant dense<0.000000e+00> : vector<1024x512xf32>
    %dot_general3A_29 = tpu.matmul %max3A_24, %get3A_27, %dot_general3A_28 {dimension_numbers = #tpu.dot_dimension_numbers<[1], [0], [0], [1], [0, 0, 1, 1], [], []>, transpose_lhs_hint = false} : vector<1024x512xf32>, vector<512x512xf32>, vector<1024x512xf32> -> vector<1024x512xf32>
    %get3A_30 = arith.constant 0 : index
    %get3A_31 = arith.constant 0 : index
    %get3A_32 = vector.load %arg7[%get3A_30, %get3A_31] : memref<1x512xf32, #tpu.memory_space<vmem>>, vector<1x512xf32>
    %add3A_33 = vector.broadcast %get3A_32 : vector<1x512xf32> to vector<1024x512xf32>
    %add3A_34 = arith.addf %dot_general3A_29, %add3A_33 : vector<1024x512xf32>
    %max3A_35 = arith.constant 0.000000e+00 : f32
    %max3A_36 = vector.broadcast %max3A_35 : f32 to vector<1024x512xf32>
    %max3A_37 = arith.maximumf %add3A_34, %max3A_36 : vector<1024x512xf32>
    %get3A_38 = arith.constant 0 : index
    %get3A_39 = arith.constant 0 : index
    %get3A_40 = vector.load %arg8[%get3A_38, %get3A_39] : memref<512x128xf32, #tpu.memory_space<vmem>>, vector<512x128xf32>
    %dot_general3A_41 = arith.constant dense<0.000000e+00> : vector<1024x128xf32>
    %dot_general3A_42 = tpu.matmul %max3A_37, %get3A_40, %dot_general3A_41 {dimension_numbers = #tpu.dot_dimension_numbers<[1], [0], [0], [1], [0, 0, 1, 1], [], []>, transpose_lhs_hint = false} : vector<1024x512xf32>, vector<512x128xf32>, vector<1024x128xf32> -> vector<1024x128xf32>
    %get3A_43 = arith.constant 0 : index
    %get3A_44 = arith.constant 0 : index
    %get3A_45 = vector.load %arg9[%get3A_43, %get3A_44] : memref<1x128xf32, #tpu.memory_space<vmem>>, vector<1x128xf32>
    %add3A_46 = vector.broadcast %get3A_45 : vector<1x128xf32> to vector<1024x128xf32>
    %add3A_47 = arith.addf %dot_general3A_42, %add3A_46 : vector<1024x128xf32>
    %reduce_max3A = arith.constant dense<0xFF800000> : vector<1024xf32>
    %reduce_max3A_48 = vector.multi_reduction <maximumf>, %add3A_47, %reduce_max3A [1] : vector<1024x128xf32> to vector<1024xf32>
    %broadcast_in_dim3A = vector.shape_cast %reduce_max3A_48 : vector<1024xf32> to vector<1024x1xf32>
    %sub3A = vector.broadcast %broadcast_in_dim3A : vector<1024x1xf32> to vector<1024x128xf32>
    %sub3A_49 = arith.subf %add3A_47, %sub3A : vector<1024x128xf32>
    %exp3A = math.exp %sub3A_49 : vector<1024x128xf32>
    %reduce_sum3A = arith.constant dense<0.000000e+00> : vector<1024xf32>
    %reduce_sum3A_50 = vector.multi_reduction <add>, %exp3A, %reduce_sum3A [1] : vector<1024x128xf32> to vector<1024xf32>
    %broadcast_in_dim3A_51 = vector.shape_cast %reduce_sum3A_50 : vector<1024xf32> to vector<1024x1xf32>
    %log3A = math.log %broadcast_in_dim3A_51 : vector<1024x1xf32>
    %add3A_52 = arith.addf %log3A, %broadcast_in_dim3A : vector<1024x1xf32>
    %sub3A_53 = vector.broadcast %add3A_52 : vector<1024x1xf32> to vector<1024x128xf32>
    %sub3A_54 = arith.subf %add3A_47, %sub3A_53 : vector<1024x128xf32>
    %swap3A = arith.constant 0 : index
    %swap3A_55 = arith.constant 0 : index
    %swap3A_56 = vector.load %arg10[%swap3A, %swap3A_55] : memref<1024x128xf32, #tpu.memory_space<vmem>>, vector<1024x128xf32>
    tpu.vector_store %arg10[%swap3A, %swap3A_55], %sub3A_54 {strides = array<i32>} : memref<1024x128xf32, #tpu.memory_space<vmem>>, vector<1024x128xf32>,
    return
  }
  func.func @transform_0(%arg0: i32) -> (i32, i32) {
    %c0_i32 = arith.constant 0 : i32
    %c0_i32_0 = arith.constant 0 : i32
    return %arg0, %c0_i32 : i32, i32
  }
  func.func @transform_1(%arg0: i32) -> (i32, i32) {
    %c0_i32 = arith.constant 0 : i32
    %c0_i32_0 = arith.constant 0 : i32
    %c0_i32_1 = arith.constant 0 : i32
    return %c0_i32, %c0_i32_0 : i32, i32
  }
  func.func @transform_2(%arg0: i32) -> (i32, i32) {
    %c0_i32 = arith.constant 0 : i32
    %c0_i32_0 = arith.constant 0 : i32
    %c0_i32_1 = arith.constant 0 : i32
    return %c0_i32, %c0_i32_0 : i32, i32
  }
  func.func @transform_3(%arg0: i32) -> (i32, i32) {
    %c0_i32 = arith.constant 0 : i32
    %c0_i32_0 = arith.constant 0 : i32
    %c0_i32_1 = arith.constant 0 : i32
    return %c0_i32, %c0_i32_0 : i32, i32
  }
  func.func @transform_4(%arg0: i32) -> (i32, i32) {
    %c0_i32 = arith.constant 0 : i32
    %c0_i32_0 = arith.constant 0 : i32
    %c0_i32_1 = arith.constant 0 : i32
    return %c0_i32, %c0_i32_0 : i32, i32
  }
  func.func @transform_5(%arg0: i32) -> (i32, i32) {
    %c0_i32 = arith.constant 0 : i32
    %c0_i32_0 = arith.constant 0 : i32
    %c0_i32_1 = arith.constant 0 : i32
    return %c0_i32, %c0_i32_0 : i32, i32
  }
  func.func @transform_6(%arg0: i32) -> (i32, i32) {
    %c0_i32 = arith.constant 0 : i32
    %c0_i32_0 = arith.constant 0 : i32
    %c0_i32_1 = arith.constant 0 : i32
    return %c0_i32, %c0_i32_0 : i32, i32
  }
  func.func @transform_7(%arg0: i32) -> (i32, i32) {
    %c0_i32 = arith.constant 0 : i32
    %c0_i32_0 = arith.constant 0 : i32
    %c0_i32_1 = arith.constant 0 : i32
    return %c0_i32, %c0_i32_0 : i32, i32
  }
  func.func @transform_8(%arg0: i32) -> (i32, i32) {
    %c0_i32 = arith.constant 0 : i32
    %c0_i32_0 = arith.constant 0 : i32
    %c0_i32_1 = arith.constant 0 : i32
    return %c0_i32, %c0_i32_0 : i32, i32
  }
  func.func @transform_9(%arg0: i32) -> (i32, i32) {
    %c0_i32 = arith.constant 0 : i32
    %c0_i32_0 = arith.constant 0 : i32
    return %arg0, %c0_i32 : i32, i32
  }
}

</mosaic_0001>

<sc_bundles>
// kernel: kernel.5.cloned.1.call-start
scs
__scs_entry_jumppad:
0x0: {  	(pc) =	sbr.rel $0x88, $3  }
0x1: {  	(tag) =	ssettag $0x0;
	lr =	simm.s32 $0x1  }
0x2: {  	[smem:$0x3F97] =	sst lr;
	_ =	strace $0xD0000000  }
0x3: {  	_ = 	snop  }
0x4: {  	_ = 	snop  }
0x5: {  	_ = 	snop  }
0x6: {  	_ = 	snop  }
0x7: {  	_ = 	snop  }
__scs_overlays_trampoline_lowered:
0x8: {  	[smem:$0x3FA6] =	sst s0  }
0x9: {  	[smem:$0x3FA7] =	sst s1  }
0xa: {  	[smem:$0x3FA8] =	sst s2  }
0xb: {  	[smem:$0x3FA9] =	sst s3  }
0xc: {  	[smem:$0x3FAA] =	sst s4  }
0xd: {  	[smem:$0x3FAB] =	sst s5  }
0xe: {  	[smem:$0x3FAC] =	sst s6  }
0xf: {  	[smem:$0x3FAD] =	sst s7  }
0x10: {  	[smem:$0x3FAE] =	sst s8  }
0x11: {  	[smem:$0x3FAF] =	sst s9;
	s0 =	simm.s32 @!p0 $0x0  }
0x12: {  	s1 =	sld [smem:$0x3F95];
	s0 =	simm.s32 @p0 $0x1  }
0x13: {  	[smem:$0x3FB0] =	sst s0;
	s0 =	simm.s32 @!p1 $0x0  }
0x14: {  	s2 =	sld [smem:$0x3F94];
	s0 =	simm.s32 @p1 $0x1  }
0x15: {  	[smem:$0x3FB1] =	sst s0;
	s0 =	simm.s32 @!p2 $0x0  }
0x16: {  	s3 =	sld [smem:$0x3FDB];
	s0 =	simm.s32 @p2 $0x1  }
0x17: {  	s4 =	simm.s32 $0x1BF5;
	[smem:$0x3FB3] =	sst s0  }
0x18: {  	s0 =	sld [smem:$0x3F96];
	_ =	swait.ge [sflag:s4], $0x0  }
0x19: {  	s7 =	sld [smem:$0x3F97]  }
0x1a: {  	s8 =	sadd.s32 $0xFFFFE003, lr  }
0x1b: {  	s9 =	sadd.s32 $0xFFFFFEF7, lr;
	s5 =	simm.s32 $0xFFFFFFFF;
	p2 =	slt.u32 s8, $0xFFFFF086  }
0x1c: {  	p1 =	slt.u32 s9, $0xF7A;
	s5 =	simm.s32 @!p2 $0x0  }
0x1d: {  	s5 =	simm.s32 @p1 $0x1;
	p0 =	seq.s32 s7, s2  }
0x1e: {  	s7 =	smul.u32 @!p0 $0xF7A, s2;
	p2 =	seq.s32 @!p0 s5, $0x0  }
0x1f: {  	s9 =	smul.u32 $0xF7A, s1;
	s8 =	simm.s32 @!p0 $0x1BF5;
	p2 =	por !p2, p0  }
0x20: {  	[sflag:s8] =	ssyncset.s32 @!p0 $0xFFFFF086;
	s6 =	sadd.s32 @!p0 s3, s7;
	s7 =	simm.s32 @!p0 $0x108  }
0x21: {  	s3 =	sadd.s32 s3, s9;
	s6 =	sadd.s32 @!p0 $0x88, s6;
	s7 =	simm.s32 @p2 $0x1082  }
0x22: {  	[simem:s7], [sflag:s8] =	dma.local @!p0 [hbm:s6], $0xF7A  }
0x23: {  	s9 =	sor.u32 $0xD0000000, s2;
	s6 =	simm.s32 $0x108;
	_ =	swait.ge @!p0 [sflag:s8], $0x0  }
0x24: {  	s3 =	sadd.s32 $0x88, s3;
	s6 =	simm.s32 @!p1 $0x1082;
	[sflag:s4] =	ssyncset.s32 $0xFFFFF086  }
0x25: {  	[simem:s6], [sflag:s4] =	dma.local [hbm:s3], $0xF7A  }
0x26: {  	[smem:$0x3F97] =	sst s1;
	(tag) =	ssettag s2;
	_ =	strace s9  }
0x27: {  	s1 =	sld [smem:$0x3FA7]  }
0x28: {  	s2 =	sld [smem:$0x3FA8]  }
0x29: {  	s4 =	sld [smem:$0x3FAA]  }
0x2a: {  	p0 =	seq.s32 s5, $0x0;
	s5 =	sld [smem:$0x3FAB]  }
0x2b: {  	s6 =	sld [smem:$0x3FAC]  }
0x2c: {  	s7 =	sld [smem:$0x3FAD]  }
0x2d: {  	s3 =	simm.s32 $0x108;
	s8 =	sld [smem:$0x3FAE]  }
0x2e: {  	s3 =	simm.s32 @!p0 $0x1082;
	s9 =	sld [smem:$0x3FAF]  }
0x2f: {  	lr =	sadd.s32 s0, s3;
	s0 =	sld [smem:$0x3FA6]  }
0x30: {  	s3 =	sld [smem:$0x3FA9]  }
0x31: {  	[smem:$0x3FB2] =	sst s10  }
0x32: {  	s10 =	sld [smem:$0x3FB0];
	_ =	sdelay $0x3  }
0x33: {  	p0 =	seq.s32 s10, $0x1;
	s10 =	sld [smem:$0x3FB2];
	_ =	sdelay $0x3  }
0x34: {  	[smem:$0x3FB2] =	sst s10  }
0x35: {  	s10 =	sld [smem:$0x3FB1];
	_ =	sdelay $0x3  }
0x36: {  	p1 =	seq.s32 s10, $0x1;
	s10 =	sld [smem:$0x3FB2];
	_ =	sdelay $0x3  }
0x37: {  	[smem:$0x3FB2] =	sst s10  }
0x38: {  	s10 =	sld [smem:$0x3FB3]  }
0x39: {  	_ = 	snop;
	(pc) =	sbr.ind lr, $3  }
0x3a: {  	_ = 	snop  }
0x3b: {  	_ = 	snop  }
0x3c: {  	p2 =	seq.s32 s10, $0x1;
	s10 =	sld [smem:$0x3FB2]  }
0x3d: {  	_ =	shalt  }
0x3e: {  	_ =	shalt  }
0x3f: {  	_ =	shalt  }
0x40: {  	_ =	shalt  }
0x41: {  	_ =	shalt  }
0x42: {  	_ =	shalt  }
0x43: {  	_ =	shalt  }
0x44: {  	_ =	shalt  }
0x45: {  	_ =	shalt  }
0x46: {  	_ =	shalt  }
0x47: {  	_ =	shalt  }
0x48: {  	_ =	shalt  }
0x49: {  	_ =	shalt  }
0x4a: {  	_ =	shalt  }
0x4b: {  	_ =	shalt  }
0x4c: {  	_ =	shalt  }
0x4d: {  	_ =	shalt  }
0x4e: {  	_ =	shalt  }
0x4f: {  	_ =	shalt  }
0x50: {  	_ =	shalt  }
0x51: {  	_ =	shalt  }
0x52: {  	_ =	shalt  }
0x53: {  	_ =	shalt  }
0x54: {  	_ =	shalt  }
0x55: {  	_ =	shalt  }
0x56: {  	_ =	shalt  }
0x57: {  	_ =	shalt  }
0x58: {  	_ =	shalt  }
0x59: {  	_ =	shalt  }
0x5a: {  	_ =	shalt  }
0x5b: {  	_ =	shalt  }
0x5c: {  	_ =	shalt  }
0x5d: {  	_ =	shalt  }
0x5e: {  	_ =	shalt  }
0x5f: {  	_ =	shalt  }
0x60: {  	_ =	shalt  }
0x61: {  	_ =	shalt  }
0x62: {  	_ =	shalt  }
0x63: {  	_ =	shalt  }
0x64: {  	_ =	shalt  }
0x65: {  	_ =	shalt  }
0x66: {  	_ =	shalt  }
0x67: {  	_ =	shalt  }
0x68: {  	_ =	shalt  }
0x69: {  	_ =	shalt  }
0x6a: {  	_ =	shalt  }
0x6b: {  	_ =	shalt  }
0x6c: {  	_ =	shalt  }
0x6d: {  	_ =	shalt  }
0x6e: {  	_ =	shalt  }
0x6f: {  	_ =	shalt  }
0x70: {  	_ =	shalt  }
0x71: {  	_ =	shalt  }
0x72: {  	_ =	shalt  }
0x73: {  	_ =	shalt  }
0x74: {  	_ =	shalt  }
0x75: {  	_ =	shalt  }
0x76: {  	_ =	shalt  }
0x77: {  	_ =	shalt  }
0x78: {  	_ =	shalt  }
0x79: {  	_ =	shalt  }
0x7a: {  	_ =	shalt  }
0x7b: {  	_ =	shalt  }
0x7c: {  	_ =	shalt  }
0x7d: {  	_ =	shalt  }
0x7e: {  	_ =	shalt  }
0x7f: {  	_ =	shalt  }
0x80: {  	_ =	shalt  }
0x81: {  	_ =	shalt  }
0x82: {  	_ =	shalt  }
0x83: {  	_ =	shalt  }
0x84: {  	_ =	shalt  }
0x85: {  	_ =	shalt  }
0x86: {  	_ =	shalt  }
0x87: {  	_ =	shalt  }
.Lfunc_end0:
.L_simem_size_0:
called_computation_lowered:
.L_overlay_start_0:
0x88: {  	s2 =	sld [smem:$0x3FD9]  }
0x89: {  	s3 =	sld [smem:$0x3FFE];
	_ =	sdelay $0x1  }
0x8a: {  	s1 =	srdreg.scid  }
0x8b: {  	s0 =	sand.u32 $0x1, s1  }
0x8c: {  	s17 =	sshll.u32 s0, $0xA;
	s2 =	sadd.s32 s3, s2  }
0x8d: {  	s2 =	sadd.s32 s2, s17  }
0x8e: {  	[smem:$0x3FBE] =	sst s2  }
0x8f: {  	_ = 	snop  }
0x90: {  	s2 =	sld [smem:$0x3FD0];
	(tm) =	ssettm $0x1  }
0x91: {  	s18 =	sld [smem:$0x3FFB];
	_ =	sdelay $0x3  }
0x92: {  	_ =	strace s18  }
0x93: {  	s3 =	sld [smem:$0x3FFC];
	_ =	sdelay $0x3  }
0x94: {  	_ =	strace s3  }
0x95: {  	s3 =	sld [smem:$0x3FFD];
	_ =	sdelay $0x3  }
0x96: {  	_ =	strace s3  }
0x97: {  	_ =	strace $0x8FFFFFFF  }
0x98: {  	s19 =	sld [smem:$0x3FDB];
	_ =	sdelay $0x1  }
0x99: {  	s4 =	simm.s32 $_scs_section_size  }
0x9a: {  	s5 =	simm.s32 $_size__tile_overlayer_lowered;
	s6 =	simm.s32 $_tile_overlayer_lowered  }
0x9b: {  	s22 =	simm.s32 $0x1BFF;
	s21 =	sshll.u32 s6, $0x1;
	s3 =	sadd.s32 s4, s19  }
0x9c: {  	s7 =	simm.s32 $0x0;
	s20 =	sshll.u32 s5, $0x1;
	s5 =	sadd.s32 s21, s3  }
0x9d: {  	[timem:s7], [sflag:s22] =	dma.local [hbm:s5], s20  }
0x9e: {  	_ =	swait.ge [sflag:s22], s20  }
0x9f: {  	s4 =	ssub.s32 $0x0, s20;
	[sflag:s22] =	ssyncset.done $0x0  }
0xa0: {  	[sflag:s22] =	ssyncadd.s32 s4;
	_ =	sdelay $0x1  }
0xa1: {  	s23 =	simm.s32 $0x1B8B  }
0xa2: {  	_ =	swait.ge [sflag:s23], $0x1  }
0xa3: {  	[sflag:s23] =	ssyncset.done $0x0  }
0xa4: {  	s25 =	simm.s32 $0x1B8E;
	s24 =	sld [smem:$0x3FFE];
	[sflag:s23] =	ssyncadd.s32 $0xFFFFFFFF  }
0xa5: {  	s26 =	simm.s32 $execute0_lowered;
	[smem:$0x3FD2] =	sst s25  }
0xa6: {  	s5 =	sshll.u32 s26, $0x1;
	_ =	strace $0x80000046;
	[dreg:$0x1] =	wrdreg $0xFFFFFFFF  }
0xa7: {  	s28 =	simm.s32 $_size_execute0_lowered;
	s3 =	sadd.s32 s3, s5;
	[dreg:$0x0] =	wrdreg $0x0  }
0xa8: {  	s5 =	sshll.u32 s28, $0x1;
	[dreg:$0x2] =	wrdreg s3  }
0xa9: {  	[dreg:$0x3] =	wrdreg s5  }
0xaa: {  	[dreg:$0x4] =	wrdreg $0xC0  }
0xab: {  	_ =	task [dreg:s7], $0x5FFFF  }
0xac: {  	[dreg:$0x1] =	wrdreg $0xFFFFFFFF  }
0xad: {  	[dreg:$0x0] =	wrdreg $0x60  }
0xae: {  	[dreg:$0x2] =	wrdreg s2  }
0xaf: {  	[dreg:$0x3] =	wrdreg s24  }
0xb0: {  	[dreg:$0x4] =	wrdreg $0x9  }
0xb1: {  	_ =	task.clear_ibuf [dreg:s7], $0x5FFFF;
	_ =	strace $0x90000046  }
0xb2: {  	s29 =	simm.s32 $0x9;
	_ =	strace $0x80000048  }
0xb3: {  	_ =	swait.ge [sflag:s29], $0x1  }
0xb4: {  	[sflag:s29] =	ssyncadd.s32 $0xFFFFFFFF  }
0xb5: {  	_ =	strace $0x90000048  }
0xb6: {  	_ =	sfence  }
0xb7: {  	s30 =	sld [smem:$0x0];
	_ =	sdelay $0x2  }
0xb8: {  	s31 =	sshll.u32 s1, $0xD;
	s1 =	sshrl.u32 s1, $0x2  }
0xb9: {  	s3 =	sand.u32 $0x4000, s31;
	s1 =	sadd.s32 s1, s30  }
0xba: {  	s0 =	sor.u32 s3, s0;
	s1 =	sshll.u32 s1, $0x11  }
0xbb: {  	s0 =	sor.u32 s1, s0  }
0xbc: {  	s0 =	sadd.s32 $0x8F2B, s0  }
0xbd: {  	[sflag:s0] =	ssyncadd.remote.s32 $0x1  }
0xbe: {  	_ =	sfence.sel $0xFFFF  }
0xbf: {  	[dreg:$0x0] =	wrdreg $0xFFFFFFFF;
	(pc) =	sbr.abs _section_cstart, $3  }
0xc0: {  	[dreg:$0x1] =	wrdreg $0xFFFFFFFF  }
0xc1: {  	_ =	task.clear_ibuf [dreg:s7], $0x2FFFF;
	_ =	strace $0x9FFFFFFF  }
0xc2: {  	(tm) =	ssettm $0x7FFFFFFF  }
0xc3: {  	_ =	shalt  }
tec
execute0_lowered:
.L_overlay_start_1:
0x0: {  	(tag) =	ssettag $0x1  }
0x1: {  	s4 =	rddreg [dreg:$0x0]  }
0x2: {  	s5 =	rddreg [dreg:$0x1]  }
0x3: {  	s0 =	rddreg [dreg:$0x2];
	s2 =	simm.s32 $0x0  }
0x4: {  	s3 =	srdreg.scid;
	s1 =	stileid.u32;
	s10 =	simm.s32 $0x80  }
0x5: {  	s11 =	simm.s32 $0xB400;
	s12 =	simm.s32 $0x100;
	s13 =	simm.s32 $0xE800  }
0x6: {  	s14 =	simm.s32 $0x180;
	s15 =	simm.s32 $0x11C00;
	s16 =	simm.s32 $0x1  }
0x7: {  	s17 =	simm.s32 $0x2;
	s18 =	simm.s32 $0x3;
	s19 =	simm.s32 $0x4  }
0x8: {  	s20 =	simm.s32 $0x5;
	s21 =	simm.s32 $0x6;
	s22 =	simm.s32 $0x0  }
0x9: {  	[smem:$0x7FF] =	sst s2;
	s6 =	sand.u32 $0x1, s3;
	s7 =	sshll.u32 s1, $0x1  }
0xa: {  	s3 =	sadd.s32 $0x1A00, s5;
	s7 =	sor.u32 s6, s7;
	s6 =	ssub.s32 $0x2, s6  }
0xb: {  	_ =	strace $0x80000047;
	s8 =	sshll.u32 s7, $0xD;
	s9 =	sshrl.u32 s6, $0x1  }
0xc: {  	s7 =	sshll.u32 s7, $0xC;
	s5 =	sadd.s32 s8, s5;
	s6 =	ssub.s32 s6, s9  }
0xd: {  	s4 =	sadd.s32 s4, s7;
	s7 =	simm.s32 $0x7;
	s8 =	simm.s32 $0x68  }
0xe: {  	s9 =	simm.s32 $0x8000;
	s5 =	sadd.s32 $0xF51A00, s5;
	s6 =	smax.u32 s6, $0x1  }
.LBB2_1:
0xf: {  	[tilespmem:s2], [sflag:$0x7] =	stream.linear.gather [hbm4b:s4+s2], $0x8000, $0x38;
	[tilespmem:$0x15800] =	vst v63  }
0x10: {  	_ =	swait.ge [sflag:s7], $0x8000  }
0x11: {  	[sflag:s7] =	ssyncset.done $0x0  }
0x12: {  	[sflag:s7] =	ssyncadd.s32 $0xFFFF8000  }
0x13: {  	[tilespmem:s9], [sflag:$0x1] =	stream.indirect.gather [hbm4b:s3+s8], $0x80, s2, s8, $0xb8;
	[tilespmem:$0x15800] =	vst v63  }
0x14: {  	_ = 	snop  }
0x15: {  	[tilespmem:s11], [sflag:$0x2] =	stream.indirect.gather [hbm4b:s3+s8], $0x80, s10, s8, $0xb8;
	[tilespmem:$0x15800] =	vst v63  }
0x16: {  	_ = 	snop  }
0x17: {  	[tilespmem:s13], [sflag:$0x3] =	stream.indirect.gather [hbm4b:s3+s8], $0x80, s12, s8, $0xb8;
	[tilespmem:$0x15800] =	vst v63  }
0x18: {  	s23 =	simm.s32 $0x0  }
0x19: {  	[tilespmem:s15], [sflag:$0x4] =	stream.indirect.gather [hbm4b:s3+s8], $0x80, s14, s8, $0xb8;
	[tilespmem:$0x15800] =	vst v63  }
.LBB2_2:
0x1a: {  	s24 =	sand.u32 $0x1, s23;
	p0 =	slt.u32 s23, $0x2  }
0x1b: {  	s25 =	sadd.s32 @!p0 $0x5, s24  }
0x1c: {  	_ =	swait.ge @!p0 [sflag:s25], $0x400  }
0x1d: {  	[sflag:s25] =	ssyncset.done @!p0 $0x0  }
0x1e: {  	[sflag:s25] =	ssyncadd.s32 @!p0 $0xFFFFFC00  }
0x1f: {  	_ =	swait.ge [sflag:s16], $0x3400  }
0x20: {  	[sflag:s16] =	ssyncset.done $0x0  }
0x21: {  	s26 =	simm.s32 $0x0;
	[sflag:s16] =	ssyncadd.s32 $0xFFFFCC00  }
0x22: {  	v1 =	vld [tilespmem:s26+$0x8030]  }
0x23: {  	v2 =	vld [tilespmem:s26+$0x8000]  }
0x24: {  	v0 =	vimm.f32 $0.0e+00;
	v3 =	vld [tilespmem:s26+$0x8010]  }
0x25: {  	s28 =	sshll.u32 s23, $0xB;
	v5 =	vimm.f32 $0.0e+00;
	v6 =	vimm.f32 $0.0e+00;
	v7 =	vimm.f32 $0.0e+00;
	s25 =	simm.s32 $0x200;
	v4 =	vld [tilespmem:s26+$0x8020]  }
.LBB2_3:
0x26: {  	p0 =	sne.s32 s25, $0x6200  }
.Ltmp0:
0x27: {  	s26 =	sshra.s32 s25, $0x2;
	s25 =	sadd.s32 $0x200, s25;
	v0 =	vadd.f32 v1, v0;
	(pc) =	sbr.rel @p0 .LBB2_3-.Ltmp0, $4  }
0x28: {  	v1 =	vld [tilespmem:s26+$0x8030];
	v5 =	vadd.f32 v2, v5  }
0x29: {  	v2 =	vld [tilespmem:s26+$0x8000];
	v6 =	vadd.f32 v3, v6  }
0x2a: {  	v3 =	vld [tilespmem:s26+$0x8010];
	v7 =	vadd.f32 v4, v7  }
0x2b: {  	v4 =	vld [tilespmem:s26+$0x8020]  }
0x2c: {  	_ = 	snop  }
0x2d: {  	v0 =	vadd.f32 v1, v0  }
0x2e: {  	v2 =	vadd.f32 v2, v5  }
0x2f: {  	v3 =	vadd.f32 v3, v6;
	v0 =	vmul.f32 $1.999999960e-02, v0  }
0x30: {  	s25 =	sshll.u32 s24, $0xA;
	v4 =	vadd.f32 v4, v7;
	v2 =	vmul.f32 $1.999999960e-02, v2  }
0x31: {  	v1 =	vmul.f32 $1.999999960e-02, v3;
	[tilespmem:s25+$0x15030] =	vst v0  }
0x32: {  	[tilespmem:s25+$0x15000] =	vst v2;
	v2 =	vmul.f32 $1.999999960e-02, v4  }
0x33: {  	[tilespmem:s25+$0x15010] =	vst v1  }
0x34: {  	s30 =	simm.s32 $0x0;
	[tilespmem:s25+$0x15020] =	vst v2  }
0x35: {  	v1 =	vld [tilespmem:s30+$0x9930]  }
0x36: {  	v2 =	vld [tilespmem:s30+$0x9900]  }
0x37: {  	v5 =	vimm.f32 $0.0e+00;
	v3 =	vld [tilespmem:s30+$0x9910]  }
0x38: {  	s29 =	simm.s32 $0x200;
	s26 =	sor.u32 $0x15000, s25;
	v6 =	vimm.f32 $0.0e+00;
	v7 =	vimm.f32 $0.0e+00;
	v0 =	vimm.f32 $0.0e+00;
	v4 =	vld [tilespmem:s30+$0x9920]  }
.LBB2_5:
0x39: {  	p0 =	sne.s32 s29, $0x6200  }
.Ltmp1:
0x3a: {  	s30 =	sshra.s32 s29, $0x2;
	s29 =	sadd.s32 $0x200, s29;
	v0 =	vadd.f32 v1, v0;
	(pc) =	sbr.rel @p0 .LBB2_5-.Ltmp1, $4  }
0x3b: {  	v1 =	vld [tilespmem:s30+$0x9930];
	v5 =	vadd.f32 v2, v5  }
0x3c: {  	v2 =	vld [tilespmem:s30+$0x9900];
	v6 =	vadd.f32 v3, v6  }
0x3d: {  	v3 =	vld [tilespmem:s30+$0x9910];
	v7 =	vadd.f32 v4, v7  }
0x3e: {  	v4 =	vld [tilespmem:s30+$0x9920]  }
0x3f: {  	_ = 	snop  }
0x40: {  	v0 =	vadd.f32 v1, v0  }
0x41: {  	v2 =	vadd.f32 v2, v5  }
0x42: {  	v3 =	vadd.f32 v3, v6;
	v0 =	vmul.f32 $1.999999960e-02, v0  }
0x43: {  	v4 =	vadd.f32 v4, v7;
	v2 =	vmul.f32 $1.999999960e-02, v2  }
0x44: {  	v1 =	vmul.f32 $1.999999960e-02, v3;
	[tilespmem:s25+$0x150B0] =	vst v0  }
0x45: {  	p0 =	seq.s32 s23, $0x3F;
	[tilespmem:s25+$0x15080] =	vst v2;
	v2 =	vmul.f32 $1.999999960e-02, v4  }
0x46: {  	s28 =	sshrl.u32 @!p0 s28, $0x2;
	[tilespmem:s25+$0x15090] =	vst v1  }
0x47: {  	s30 =	simm.s32 @!p0 $0x68;
	s31 =	simm.s32 @!p0 $0x8000;
	s29 =	sadd.s32 @!p0 $0x200, s28;
	[tilespmem:s25+$0x150A0] =	vst v2  }
0x48: {  	[tilespmem:s31], [sflag:$0x1] =	stream.indirect.gather @!p0 [hbm4b:s3+s30], $0x80, s29, s30, $0xb8;
	[tilespmem:$0x15800] =	vst v63  }
0x49: {  	_ =	swait.ge [sflag:s17], $0x3400  }
0x4a: {  	[sflag:s17] =	ssyncset.done $0x0  }
0x4b: {  	s31 =	simm.s32 $0x0;
	[sflag:s17] =	ssyncadd.s32 $0xFFFFCC00  }
0x4c: {  	v1 =	vld [tilespmem:s31+$0xB430]  }
0x4d: {  	v2 =	vld [tilespmem:s31+$0xB400]  }
0x4e: {  	v5 =	vimm.f32 $0.0e+00;
	v3 =	vld [tilespmem:s31+$0xB410]  }
0x4f: {  	v6 =	vimm.f32 $0.0e+00;
	v7 =	vimm.f32 $0.0e+00;
	v0 =	vimm.f32 $0.0e+00;
	s29 =	simm.s32 $0x200;
	v4 =	vld [tilespmem:s31+$0xB420]  }
.LBB2_7:
0x50: {  	p1 =	sne.s32 s29, $0x6200  }
.Ltmp2:
0x51: {  	s30 =	sshra.s32 s29, $0x2;
	s29 =	sadd.s32 $0x200, s29;
	v0 =	vadd.f32 v1, v0;
	(pc) =	sbr.rel @p1 .LBB2_7-.Ltmp2, $4  }
0x52: {  	v1 =	vld [tilespmem:s30+$0xB430];
	v5 =	vadd.f32 v2, v5  }
0x53: {  	v2 =	vld [tilespmem:s30+$0xB400];
	v6 =	vadd.f32 v3, v6  }
0x54: {  	v3 =	vld [tilespmem:s30+$0xB410];
	v7 =	vadd.f32 v4, v7  }
0x55: {  	v4 =	vld [tilespmem:s30+$0xB420]  }
0x56: {  	_ = 	snop  }
0x57: {  	v0 =	vadd.f32 v1, v0  }
0x58: {  	v2 =	vadd.f32 v2, v5  }
0x59: {  	v3 =	vadd.f32 v3, v6;
	v0 =	vmul.f32 $1.999999960e-02, v0  }
0x5a: {  	v4 =	vadd.f32 v4, v7;
	v2 =	vmul.f32 $1.999999960e-02, v2  }
0x5b: {  	v1 =	vmul.f32 $1.999999960e-02, v3;
	[tilespmem:s25+$0x15130] =	vst v0  }
0x5c: {  	[tilespmem:s25+$0x15100] =	vst v2;
	v2 =	vmul.f32 $1.999999960e-02, v4  }
0x5d: {  	[tilespmem:s25+$0x15110] =	vst v1  }
0x5e: {  	s30 =	simm.s32 $0x0;
	[tilespmem:s25+$0x15120] =	vst v2  }
0x5f: {  	v1 =	vld [tilespmem:s30+$0xCD30]  }
0x60: {  	v2 =	vld [tilespmem:s30+$0xCD00]  }
0x61: {  	v5 =	vimm.f32 $0.0e+00;
	v3 =	vld [tilespmem:s30+$0xCD10]  }
0x62: {  	s29 =	simm.s32 $0x200;
	v6 =	vimm.f32 $0.0e+00;
	v7 =	vimm.f32 $0.0e+00;
	v0 =	vimm.f32 $0.0e+00;
	v4 =	vld [tilespmem:s30+$0xCD20]  }
.LBB2_9:
0x63: {  	p1 =	sne.s32 s29, $0x6200  }
.Ltmp3:
0x64: {  	s30 =	sshra.s32 s29, $0x2;
	s29 =	sadd.s32 $0x200, s29;
	v0 =	vadd.f32 v1, v0;
	(pc) =	sbr.rel @p1 .LBB2_9-.Ltmp3, $4  }
0x65: {  	v1 =	vld [tilespmem:s30+$0xCD30];
	v5 =	vadd.f32 v2, v5  }
0x66: {  	v2 =	vld [tilespmem:s30+$0xCD00];
	v6 =	vadd.f32 v3, v6  }
0x67: {  	v3 =	vld [tilespmem:s30+$0xCD10];
	v7 =	vadd.f32 v4, v7  }
0x68: {  	v4 =	vld [tilespmem:s30+$0xCD20]  }
0x69: {  	_ = 	snop  }
0x6a: {  	v0 =	vadd.f32 v1, v0  }
0x6b: {  	v2 =	vadd.f32 v2, v5  }
0x6c: {  	v3 =	vadd.f32 v3, v6;
	v0 =	vmul.f32 $1.999999960e-02, v0  }
0x6d: {  	v4 =	vadd.f32 v4, v7;
	v2 =	vmul.f32 $1.999999960e-02, v2  }
0x6e: {  	v1 =	vmul.f32 $1.999999960e-02, v3;
	[tilespmem:s25+$0x151B0] =	vst v0  }
0x6f: {  	[tilespmem:s25+$0x15180] =	vst v2;
	v2 =	vmul.f32 $1.999999960e-02, v4  }
0x70: {  	[tilespmem:s25+$0x15190] =	vst v1  }
0x71: {  	s29 =	sadd.s32 @!p0 $0x280, s28;
	s30 =	simm.s32 @!p0 $0x68;
	s31 =	simm.s32 @!p0 $0xB400;
	[tilespmem:s25+$0x151A0] =	vst v2  }
0x72: {  	[tilespmem:s31], [sflag:$0x2] =	stream.indirect.gather @!p0 [hbm4b:s3+s30], $0x80, s29, s30, $0xb8;
	[tilespmem:$0x15800] =	vst v63  }
0x73: {  	_ =	swait.ge [sflag:s18], $0x3400  }
0x74: {  	[sflag:s18] =	ssyncset.done $0x0  }
0x75: {  	s31 =	simm.s32 $0x0;
	[sflag:s18] =	ssyncadd.s32 $0xFFFFCC00  }
0x76: {  	v1 =	vld [tilespmem:s31+$0xE830]  }
0x77: {  	v2 =	vld [tilespmem:s31+$0xE800]  }
0x78: {  	v5 =	vimm.f32 $0.0e+00;
	v3 =	vld [tilespmem:s31+$0xE810]  }
0x79: {  	v6 =	vimm.f32 $0.0e+00;
	v7 =	vimm.f32 $0.0e+00;
	v0 =	vimm.f32 $0.0e+00;
	s29 =	simm.s32 $0x200;
	v4 =	vld [tilespmem:s31+$0xE820]  }
.LBB2_11:
0x7a: {  	p1 =	sne.s32 s29, $0x6200  }
.Ltmp4:
0x7b: {  	s30 =	sshra.s32 s29, $0x2;
	s29 =	sadd.s32 $0x200, s29;
	v0 =	vadd.f32 v1, v0;
	(pc) =	sbr.rel @p1 .LBB2_11-.Ltmp4, $4  }
0x7c: {  	v1 =	vld [tilespmem:s30+$0xE830];
	v5 =	vadd.f32 v2, v5  }
0x7d: {  	v2 =	vld [tilespmem:s30+$0xE800];
	v6 =	vadd.f32 v3, v6  }
0x7e: {  	v3 =	vld [tilespmem:s30+$0xE810];
	v7 =	vadd.f32 v4, v7  }
0x7f: {  	v4 =	vld [tilespmem:s30+$0xE820]  }
0x80: {  	_ = 	snop  }
0x81: {  	v0 =	vadd.f32 v1, v0  }
0x82: {  	v2 =	vadd.f32 v2, v5  }
0x83: {  	v3 =	vadd.f32 v3, v6;
	v0 =	vmul.f32 $1.999999960e-02, v0  }
0x84: {  	v4 =	vadd.f32 v4, v7;
	v2 =	vmul.f32 $1.999999960e-02, v2  }
0x85: {  	v1 =	vmul.f32 $1.999999960e-02, v3;
	[tilespmem:s25+$0x15230] =	vst v0  }
0x86: {  	[tilespmem:s25+$0x15200] =	vst v2;
	v2 =	vmul.f32 $1.999999960e-02, v4  }
0x87: {  	[tilespmem:s25+$0x15210] =	vst v1  }
0x88: {  	s30 =	simm.s32 $0x0;
	[tilespmem:s25+$0x15220] =	vst v2  }
0x89: {  	v1 =	vld [tilespmem:s30+$0x10130]  }
0x8a: {  	v2 =	vld [tilespmem:s30+$0x10100]  }
0x8b: {  	v5 =	vimm.f32 $0.0e+00;
	v3 =	vld [tilespmem:s30+$0x10110]  }
0x8c: {  	s29 =	simm.s32 $0x200;
	v6 =	vimm.f32 $0.0e+00;
	v7 =	vimm.f32 $0.0e+00;
	v0 =	vimm.f32 $0.0e+00;
	v4 =	vld [tilespmem:s30+$0x10120]  }
.LBB2_13:
0x8d: {  	p1 =	sne.s32 s29, $0x6200  }
.Ltmp5:
0x8e: {  	s30 =	sshra.s32 s29, $0x2;
	s29 =	sadd.s32 $0x200, s29;
	v0 =	vadd.f32 v1, v0;
	(pc) =	sbr.rel @p1 .LBB2_13-.Ltmp5, $4  }
0x8f: {  	v1 =	vld [tilespmem:s30+$0x10130];
	v5 =	vadd.f32 v2, v5  }
0x90: {  	v2 =	vld [tilespmem:s30+$0x10100];
	v6 =	vadd.f32 v3, v6  }
0x91: {  	v3 =	vld [tilespmem:s30+$0x10110];
	v7 =	vadd.f32 v4, v7  }
0x92: {  	v4 =	vld [tilespmem:s30+$0x10120]  }
0x93: {  	_ = 	snop  }
0x94: {  	v0 =	vadd.f32 v1, v0  }
0x95: {  	v2 =	vadd.f32 v2, v5  }
0x96: {  	v3 =	vadd.f32 v3, v6;
	v0 =	vmul.f32 $1.999999960e-02, v0  }
0x97: {  	v4 =	vadd.f32 v4, v7;
	v2 =	vmul.f32 $1.999999960e-02, v2  }
0x98: {  	v1 =	vmul.f32 $1.999999960e-02, v3;
	[tilespmem:s25+$0x152B0] =	vst v0  }
0x99: {  	[tilespmem:s25+$0x15280] =	vst v2;
	v2 =	vmul.f32 $1.999999960e-02, v4  }
0x9a: {  	[tilespmem:s25+$0x15290] =	vst v1  }
0x9b: {  	s29 =	sadd.s32 @!p0 $0x300, s28;
	s30 =	simm.s32 @!p0 $0x68;
	s31 =	simm.s32 @!p0 $0xE800;
	[tilespmem:s25+$0x152A0] =	vst v2  }
0x9c: {  	[tilespmem:s31], [sflag:$0x3] =	stream.indirect.gather @!p0 [hbm4b:s3+s30], $0x80, s29, s30, $0xb8;
	[tilespmem:$0x15800] =	vst v63  }
0x9d: {  	_ =	swait.ge [sflag:s19], $0x3400  }
0x9e: {  	[sflag:s19] =	ssyncset.done $0x0  }
0x9f: {  	s31 =	simm.s32 $0x0;
	[sflag:s19] =	ssyncadd.s32 $0xFFFFCC00  }
0xa0: {  	v1 =	vld [tilespmem:s31+$0x11C30]  }
0xa1: {  	v2 =	vld [tilespmem:s31+$0x11C00]  }
0xa2: {  	v5 =	vimm.f32 $0.0e+00;
	v3 =	vld [tilespmem:s31+$0x11C10]  }
0xa3: {  	v6 =	vimm.f32 $0.0e+00;
	v7 =	vimm.f32 $0.0e+00;
	v0 =	vimm.f32 $0.0e+00;
	s29 =	simm.s32 $0x200;
	v4 =	vld [tilespmem:s31+$0x11C20]  }
.LBB2_15:
0xa4: {  	p1 =	sne.s32 s29, $0x6200  }
.Ltmp6:
0xa5: {  	s30 =	sshra.s32 s29, $0x2;
	s29 =	sadd.s32 $0x200, s29;
	v0 =	vadd.f32 v1, v0;
	(pc) =	sbr.rel @p1 .LBB2_15-.Ltmp6, $4  }
0xa6: {  	v1 =	vld [tilespmem:s30+$0x11C30];
	v5 =	vadd.f32 v2, v5  }
0xa7: {  	v2 =	vld [tilespmem:s30+$0x11C00];
	v6 =	vadd.f32 v3, v6  }
0xa8: {  	v3 =	vld [tilespmem:s30+$0x11C10];
	v7 =	vadd.f32 v4, v7  }
0xa9: {  	v4 =	vld [tilespmem:s30+$0x11C20]  }
0xaa: {  	_ = 	snop  }
0xab: {  	v0 =	vadd.f32 v1, v0  }
0xac: {  	v2 =	vadd.f32 v2, v5  }
0xad: {  	v3 =	vadd.f32 v3, v6;
	v0 =	vmul.f32 $1.999999960e-02, v0  }
0xae: {  	v4 =	vadd.f32 v4, v7;
	v2 =	vmul.f32 $1.999999960e-02, v2  }
0xaf: {  	v1 =	vmul.f32 $1.999999960e-02, v3;
	[tilespmem:s25+$0x15330] =	vst v0  }
0xb0: {  	[tilespmem:s25+$0x15300] =	vst v2;
	v2 =	vmul.f32 $1.999999960e-02, v4  }
0xb1: {  	[tilespmem:s25+$0x15310] =	vst v1  }
0xb2: {  	s30 =	simm.s32 $0x0;
	[tilespmem:s25+$0x15320] =	vst v2  }
0xb3: {  	v1 =	vld [tilespmem:s30+$0x13530]  }
0xb4: {  	v2 =	vld [tilespmem:s30+$0x13500]  }
0xb5: {  	v5 =	vimm.f32 $0.0e+00;
	v3 =	vld [tilespmem:s30+$0x13510]  }
0xb6: {  	s29 =	simm.s32 $0x200;
	v6 =	vimm.f32 $0.0e+00;
	v7 =	vimm.f32 $0.0e+00;
	v0 =	vimm.f32 $0.0e+00;
	v4 =	vld [tilespmem:s30+$0x13520]  }
.LBB2_17:
0xb7: {  	p1 =	sne.s32 s29, $0x6200  }
.Ltmp7:
0xb8: {  	s30 =	sshra.s32 s29, $0x2;
	s29 =	sadd.s32 $0x200, s29;
	v0 =	vadd.f32 v1, v0;
	(pc) =	sbr.rel @p1 .LBB2_17-.Ltmp7, $4  }
0xb9: {  	v1 =	vld [tilespmem:s30+$0x13530];
	v5 =	vadd.f32 v2, v5  }
0xba: {  	v2 =	vld [tilespmem:s30+$0x13500];
	v6 =	vadd.f32 v3, v6  }
0xbb: {  	v3 =	vld [tilespmem:s30+$0x13510];
	v7 =	vadd.f32 v4, v7  }
0xbc: {  	v4 =	vld [tilespmem:s30+$0x13520]  }
0xbd: {  	_ = 	snop  }
0xbe: {  	v0 =	vadd.f32 v1, v0  }
0xbf: {  	v2 =	vadd.f32 v2, v5  }
0xc0: {  	v3 =	vadd.f32 v3, v6;
	v0 =	vmul.f32 $1.999999960e-02, v0  }
0xc1: {  	v4 =	vadd.f32 v4, v7;
	v2 =	vmul.f32 $1.999999960e-02, v2  }
0xc2: {  	v62 =	vmul.f32 $1.999999960e-02, v3;
	[tilespmem:s25+$0x153B0] =	vst v0  }
0xc3: {  	[tilespmem:s25+$0x15380] =	vst v2;
	v63 =	vmul.f32 $1.999999960e-02, v4  }
0xc4: {  	s29 =	simm.s32 @!p0 $0x11C00;
	s31 =	sshll.u32 s23, $0x7;
	[tilespmem:s25+$0x15390] =	vst v62  }
0xc5: {  	s23 =	sadd.s32 $0x1, s23;
	[tilespmem:s25+$0x153A0] =	vst v63;
	s25 =	sadd.s32 @!p0 $0x380, s28;
	s28 =	simm.s32 @!p0 $0x68  }
0xc6: {  	[tilespmem:s29], [sflag:$0x4] =	stream.indirect.gather @!p0 [hbm4b:s3+s28], $0x80, s25, s28, $0xb8;
	[tilespmem:$0x15800] =	vst v63  }
0xc7: {  	p0 =	sne.s32 s23, $0x40  }
.Ltmp8:
0xc8: {  	_ = 	snop;
	(pc) =	sbr.rel @p0 .LBB2_2-.Ltmp8, $3  }
0xc9: {  	_ =	sdelay $0x1  }
0xca: {  	s24 =	sadd.s32 $0x5, s24;
	s25 =	sadd.s32 s31, s5  }
0xcb: {  	[hbm4b:s25+s2] =	stream.linear.scatter [tilespmem:s26], [sflag:s24], $0x400, $0x38;
	[tilespmem:$0x15800] =	vst v63  }
0xcc: {  	s22 =	sadd.s32 $0x1, s22  }
0xcd: {  	_ =	swait.ge [sflag:s20], $0x400;
	p0 =	sne.s32 s22, s6  }
.Ltmp9:
0xce: {  	[sflag:s20] =	ssyncset.done $0x0;
	(pc) =	sbr.rel @p0 .LBB2_1-.Ltmp9, $4  }
0xcf: {  	[sflag:s20] =	ssyncadd.s32 $0xFFFFFC00  }
0xd0: {  	_ =	swait.ge [sflag:s21], $0x400  }
0xd1: {  	[sflag:s21] =	ssyncset.done $0x0  }
0xd2: {  	[sflag:s21] =	ssyncadd.s32 $0xFFFFFC00  }
0xd3: {  	_ =	sfence.sel $0x180000  }
0xd4: {  	[bflag:$0x0] =	sbarrier.arrive $0xFFFF  }
0xd5: {  	p0 =	sne.s32 s1, $0x0;
	_ =	strace $0x90000047  }
0xd6: {  	s0 =	sadd.s32 @!p0 $0x100000, s0;
	[bflag:$0x2] =	sbarrier.arrive $0xFFFF  }
0xd7: {  	[sflag:s0] =	ssyncadd.tile.s32 @!p0 $0x1;
	_ =	shalt  }
.Lfunc_end2:
_tile_overlayer_lowered:
.L_overlay_start_2:
0xd8: {  	(tag) =	ssettag $0x2  }
0xd9: {  	s0 =	rddreg [dreg:$0x0];
	s2 =	stileid.u32  }
0xda: {  	s1 =	rddreg [dreg:$0x1];
	p0 =	sne.s32 s2, $0x0  }
0xdb: {  	s3 =	rddreg [dreg:$0x2];
	[bflag:$0x3] =	sbarrier.arrive $0xFFFF;
	s2 =	simm.s32 @!p0 $0x1C07  }
0xdc: {  	[timem:s3], [sflag:s2] =	dma.local @!p0 [hbm:s0], s1  }
0xdd: {  	s0 =	simm.s32 @!p0 $0x7  }
0xde: {  	_ =	swait.ge @!p0 [sflag:s0], s1  }
0xdf: {  	s1 =	ssub.s32 @!p0 $0x0, s1;
	[sflag:s0] =	ssyncset.done @!p0 $0x0  }
0xe0: {  	[sflag:s0] =	ssyncadd.s32 @!p0 s1  }
0xe1: {  	[bflag:$0x3] =	sbarrier.arrive $0xFFFF  }
0xe2: {  	_ =	shalt  }

</sc_bundles>
